<compile_context>
chip_gen: v7x
topology: tpu7x:2x2x1
jax: 0.10.2.dev20260603
libtpu: 0.0.44.dev20260713+nightly
codegen_flags: <defaults>
</compile_context>

<pallas_src>
import functools

import jax
import jax.numpy as jnp
from jax import lax
from jax.experimental import pallas as pl
from jax.experimental.pallas import tpu as pltpu
from jax.experimental.pallas import tpu_sc as plsc

VOCAB = 100000
EMBED = 32
BATCH = 1024



@functools.lru_cache(maxsize=None)
def _make_sc_gather():
    info = plsc.get_sparse_core_info()
    nc, ns = info.num_cores, info.num_subcores
    nw = nc * ns
    b_per_w = BATCH // nw

    mesh = plsc.VectorSubcoreMesh(core_axis_name="c", subcore_axis_name="s")

    @functools.partial(
        pl.kernel,
        mesh=mesh,
        out_type=jax.ShapeDtypeStruct((BATCH, EMBED), jnp.float32),
        compiler_params=pltpu.CompilerParams(use_tc_tiling_on_sc=False),
        scratch_types=[
            pltpu.VMEM((b_per_w,), jnp.int32),
            pltpu.VMEM((b_per_w, EMBED), jnp.float32),
            pltpu.SemaphoreType.DMA,
        ],
    )
    def sc_gather(table_hbm, idx_hbm, out_hbm, idx_v, rows_v, sem):
        wid = lax.axis_index("s") * nc + lax.axis_index("c")
        base = wid * b_per_w
        pltpu.sync_copy(idx_hbm.at[pl.ds(base, b_per_w)], idx_v)
        pltpu.async_copy(table_hbm.at[idx_v], rows_v, sem).wait()
        pltpu.sync_copy(rows_v, out_hbm.at[pl.ds(base, b_per_w)])

    return sc_gather



_NBUF = 16
_TV = 512
_WIDTH = _NBUF * _TV
_GRID = pl.cdiv(VOCAB, _WIDTH)
_TAIL = [
    max(0, min(_TV, VOCAB - (_GRID - 1) * _WIDTH - t * _TV)) for t in range(_NBUF)
]


def _mm_body(ctx_ref, w_ref, b_ref, out_ref, scratch, sems):
    i = pl.program_id(0)
    last = _GRID - 1
    ctx = jnp.concatenate(
        [ctx_ref[...], jnp.ones((BATCH, 1), jnp.float32)], axis=1
    )
    w_aug = jnp.concatenate([w_ref[...], b_ref[...]], axis=0)

    def mk(t, step, rows):
        return pltpu.make_async_copy(
            scratch.at[t, :rows, :],
            out_ref.at[pl.ds(step * _WIDTH + t * _TV, rows), :],
            sems.at[t],
        )

    for t in range(_NBUF):

        @pl.when(i > 0)
        def _wait_prev():
            mk(t, i - 1, _TV).wait()

        def compute():
            scratch[t] = lax.dot_general(
                w_aug[:, t * _TV : (t + 1) * _TV],
                ctx,
                (((0,), (1,)), ((), ())),
                preferred_element_type=jnp.float32,
            )

        if _TAIL[t] > 0:
            compute()

            @pl.when(i < last)
            def _start_full():
                mk(t, i, _TV).start()

            @pl.when(i == last)
            def _start_tail():
                mk(t, i, _TAIL[t]).start()

        else:
            @pl.when(i < last)
            def _compute_and_start():
                compute()
                mk(t, i, _TV).start()

    @pl.when(i == last)
    def _drain():
        for t in range(_NBUF):
            if _TAIL[t] > 0:
                mk(t, i, _TAIL[t]).wait()


def _decoder_t(context, W, bcol):
    return pl.pallas_call(
        _mm_body,
        grid=(_GRID,),
        in_specs=[
            pl.BlockSpec((BATCH, EMBED), lambda i: (0, 0)),
            pl.BlockSpec((EMBED, _WIDTH), lambda i: (0, i)),
            pl.BlockSpec((1, _WIDTH), lambda i: (0, i)),
        ],
        out_specs=pl.BlockSpec(memory_space=pl.ANY),
        out_shape=jax.ShapeDtypeStruct((VOCAB, BATCH), jnp.float32),
        scratch_shapes=[
            pltpu.VMEM((_NBUF, _TV, BATCH), jnp.float32),
            pltpu.SemaphoreType.DMA((_NBUF,)),
        ],
        compiler_params=pltpu.CompilerParams(vmem_limit_bytes=100 * 1024 * 1024),
    )(context, W, bcol)


@jax.jit
def kernel(x, table, W, b):
    context = _make_sc_gather()(table, x.astype(jnp.int32))
    logits_t = _decoder_t(context, W, b.reshape(1, VOCAB))
    return logits_t.T

# --- scband reference (transcript-rebuilt; emitter-appended) ---
"""Pipeline reference for scband-embedding-model-41832981463123 (READ-ONLY COPY).

The authoritative reference and input builder live on the scoring server;
editing this copy changes nothing except your own understanding.
"""

import jax, jax.numpy as jnp
import numpy as np

VOCAB = 100000
EMBED = 32
BATCH = 1024

def setup_inputs(seed: int = 0) -> dict:
    key = jax.random.key(seed)
    k_x, k_tab, k_w, k_b = jax.random.split(key, 4)
    x = jax.random.randint(k_x, (BATCH,), 0, VOCAB, dtype=jnp.int64 if jax.config.jax_enable_x64 else jnp.int32)
    # learned parameters
    table = jax.random.normal(k_tab, (VOCAB, EMBED), dtype=jnp.float32) * 0.05
    W = jax.random.normal(k_w, (EMBED, VOCAB), dtype=jnp.float32) * (1.0 / np.sqrt(EMBED))
    b = jnp.zeros((VOCAB,), dtype=jnp.float32)
    return {"x": x, "table": table, "W": W, "b": b}

def reference(x, table, W, b):
    # Embedding lookup (gather)
    context = jnp.take(table, x, axis=0)  # [B, EMBED]
    # Dense decoder to vocab-sized logits
    logits = jnp.dot(context, W) + b      # [B, VOCAB]
    return logits

if __name__ == "__main__":
    import jax
    _d = setup_inputs()
    print(jax.jit(kernel)(*tuple(_d.values())))

</pallas_src>

<mosaic_0001>
#map = affine_map<(d0, d1) -> (0, 0)>
#map1 = affine_map<(d0, d1) -> (0)>
module attributes {stable_mosaic.version = 14 : i64} {
  func.func @sc_gather(%arg0: i32, %arg1: i32, %arg2: memref<100000x32xf32, #tpu.memory_space<hbm>>, %arg3: memref<1024xi32, #tpu.memory_space<hbm>>, %arg4: memref<1024x32xf32, #tpu.memory_space<hbm>>, %arg5: memref<32xi32, #tpu.memory_space<vmem>>, %arg6: memref<32x32xf32, #tpu.memory_space<vmem>>, %arg7: memref<!tpu.dma_semaphore, #tpu.memory_space<semaphore_mem>>) attributes {dimension_semantics = [#tpu.dimension_semantics<core_parallel>, #tpu.dimension_semantics<subcore_parallel>], iteration_bounds = array<i64: 2, 16>, scalar_prefetch = 0 : i64, scratch_operands = 3 : i64, tpu.core_type = #tpu.core_type<sc_vector_subcore>, window_params = [{transform_indices = #map}, {transform_indices = #map1}, {transform_indices = #map}]} {
    %mul3A = arith.constant 2 : i32
    %mul3A_0 = arith.muli %arg1, %mul3A : i32
    %add3A = arith.addi %mul3A_0, %arg0 : i32
    %mul3A_1 = arith.constant 32 : i32
    %mul3A_2 = arith.muli %add3A, %mul3A_1 : i32
    "tpu.region"() ({
      %run_scoped3A = tpu.sem_alloc : memref<!tpu.dma_semaphore, #tpu.memory_space<semaphore_mem>>
      %dma_start3A_7 = tpu.memref_slice %arg3[%mul3A_2] : memref<1024xi32, #tpu.memory_space<hbm>> -> memref<32xi32, #tpu.memory_space<hbm>>
      %dma_start3A_8 = tpu.memref_slice %arg3[%mul3A_2] : memref<1024xi32, #tpu.memory_space<hbm>> -> memref<32xi32, #tpu.memory_space<hbm>>
      tpu.enqueue_dma source(%dma_start3A_8 : memref<32xi32, #tpu.memory_space<hbm>>) target(%arg5 : memref<32xi32, #tpu.memory_space<vmem>>) target_semaphore(%run_scoped3A : memref<!tpu.dma_semaphore, #tpu.memory_space<semaphore_mem>>)
      %dma_wait3A_9 = tpu.memref_slice %arg3[%mul3A_2] : memref<1024xi32, #tpu.memory_space<hbm>> -> memref<32xi32, #tpu.memory_space<hbm>>
      %dma_wait3A_10 = tpu.memref_slice %arg3[%mul3A_2] : memref<1024xi32, #tpu.memory_space<hbm>> -> memref<32xi32, #tpu.memory_space<hbm>>
      tpu.wait_dma2 semaphore(%run_scoped3A : memref<!tpu.dma_semaphore, #tpu.memory_space<semaphore_mem>>) src(%dma_wait3A_10 : memref<32xi32, #tpu.memory_space<hbm>>) dst(%arg5 : memref<32xi32, #tpu.memory_space<vmem>>)
      tpu.yield
    }) : () -> ()
    %dma_start3A = arith.constant 0 : i32
    %dma_start3A_3 = arith.constant 0 : i32
    %dma_start3A_4 = tpu.memref_slice %arg2[%dma_start3A, %dma_start3A_3] : memref<100000x32xf32, #tpu.memory_space<hbm>> -> memref<100000x32xf32, #tpu.memory_space<hbm>>
    tpu.enqueue_indirect_dma source(%dma_start3A_4 : memref<100000x32xf32, #tpu.memory_space<hbm>>) target(%arg6 : memref<32x32xf32, #tpu.memory_space<vmem>>) offsets(%arg5 : memref<32xi32, #tpu.memory_space<vmem>>) semaphore(%arg7 : memref<!tpu.dma_semaphore, #tpu.memory_space<semaphore_mem>>)
    %dma_wait3A = arith.constant 0 : i32
    %dma_wait3A_5 = arith.constant 0 : i32
    %dma_wait3A_6 = tpu.memref_slice %arg2[%dma_wait3A, %dma_wait3A_5] : memref<100000x32xf32, #tpu.memory_space<hbm>> -> memref<100000x32xf32, #tpu.memory_space<hbm>>
    tpu.wait_indirect_dma semaphore(%arg7 : memref<!tpu.dma_semaphore, #tpu.memory_space<semaphore_mem>>) src(%dma_wait3A_6 : memref<100000x32xf32, #tpu.memory_space<hbm>>) dst(%arg6 : memref<32x32xf32, #tpu.memory_space<vmem>>)
    "tpu.region"() ({
      %run_scoped3A = tpu.sem_alloc : memref<!tpu.dma_semaphore, #tpu.memory_space<semaphore_mem>>
      %dma_start3A_7 = arith.constant 0 : i32
      %dma_start3A_8 = tpu.memref_slice %arg4[%mul3A_2, %dma_start3A_7] : memref<1024x32xf32, #tpu.memory_space<hbm>> -> memref<32x32xf32, #tpu.memory_space<hbm>>
      %dma_start3A_9 = arith.constant 0 : i32
      %dma_start3A_10 = tpu.memref_slice %arg4[%mul3A_2, %dma_start3A_9] : memref<1024x32xf32, #tpu.memory_space<hbm>> -> memref<32x32xf32, #tpu.memory_space<hbm>>
      tpu.enqueue_dma source(%arg6 : memref<32x32xf32, #tpu.memory_space<vmem>>) target(%dma_start3A_10 : memref<32x32xf32, #tpu.memory_space<hbm>>) target_semaphore(%run_scoped3A : memref<!tpu.dma_semaphore, #tpu.memory_space<semaphore_mem>>)
      %dma_wait3A_11 = arith.constant 0 : i32
      %dma_wait3A_12 = tpu.memref_slice %arg4[%mul3A_2, %dma_wait3A_11] : memref<1024x32xf32, #tpu.memory_space<hbm>> -> memref<32x32xf32, #tpu.memory_space<hbm>>
      %dma_wait3A_13 = arith.constant 0 : i32
      %dma_wait3A_14 = tpu.memref_slice %arg4[%mul3A_2, %dma_wait3A_13] : memref<1024x32xf32, #tpu.memory_space<hbm>> -> memref<32x32xf32, #tpu.memory_space<hbm>>
      tpu.wait_dma2 semaphore(%run_scoped3A : memref<!tpu.dma_semaphore, #tpu.memory_space<semaphore_mem>>) src(%arg6 : memref<32x32xf32, #tpu.memory_space<vmem>>) dst(%dma_wait3A_14 : memref<32x32xf32, #tpu.memory_space<hbm>>)
      tpu.yield
    }) : () -> ()
    return
  }
}

module attributes {stable_mosaic.version = 14 : i64} {
  func.func @_mm_body(%arg0: i32, %arg1: memref<1024x32xf32, #tpu.memory_space<vmem>>, %arg2: memref<32x8192xf32, #tpu.memory_space<vmem>>, %arg3: memref<1x8192xf32, #tpu.memory_space<vmem>>, %arg4: memref<100000x1024xf32, #tpu.memory_space<any>>, %arg5: memref<16x512x1024xf32, #tpu.memory_space<vmem>>, %arg6: memref<16x!tpu.dma_semaphore, #tpu.memory_space<semaphore_mem>>) attributes {dimension_semantics = [#tpu.dimension_semantics<arbitrary>], iteration_bounds = array<i64: 13>, scalar_prefetch = 0 : i64, scratch_operands = 2 : i64, tpu.core_type = #tpu.core_type<tc>, window_params = [{pipeline_mode = #tpu.pipeline_mode<synchronous>, transform_indices = @transform_0, window_bounds = array<i64: 1024, 32>}, {transform_indices = @transform_1, window_bounds = array<i64: 32, 8192>}, {transform_indices = @transform_2, window_bounds = array<i64: 1, 8192>}, {}]} {
    %get3A = arith.constant 0 : index
    %get3A_0 = arith.constant 0 : index
    %get3A_1 = vector.load %arg1[%get3A, %get3A_0] : memref<1024x32xf32, #tpu.memory_space<vmem>>, vector<1024x32xf32>
    %broadcast_in_dim3A = arith.constant 1.000000e+00 : f32
    %broadcast_in_dim3A_2 = vector.broadcast %broadcast_in_dim3A : f32 to vector<1024x1xf32>
    %concatenate3A = tpu.concatenate %get3A_1, %broadcast_in_dim3A_2 in 1 : vector<1024x32xf32>, vector<1024x1xf32> -> vector<1024x33xf32>
    %get3A_3 = arith.constant 0 : index
    %get3A_4 = arith.constant 0 : index
    %get3A_5 = vector.load %arg2[%get3A_3, %get3A_4] : memref<32x8192xf32, #tpu.memory_space<vmem>>, vector<32x8192xf32>
    %get3A_6 = arith.constant 0 : index
    %get3A_7 = arith.constant 0 : index
    %get3A_8 = vector.load %arg3[%get3A_6, %get3A_7] : memref<1x8192xf32, #tpu.memory_space<vmem>>, vector<1x8192xf32>
    %concatenate3A_9 = tpu.concatenate %get3A_5, %get3A_8 in 0 : vector<32x8192xf32>, vector<1x8192xf32> -> vector<33x8192xf32>
    %gt3A = arith.constant 0 : i32
    %gt3A_10 = arith.cmpi sgt, %arg0, %gt3A : i32
    %convert_element_type3A = arith.extui %gt3A_10 : i1 to i32
    %cond3A = arith.constant 0 : i32
    %cond3A_11 = arith.cmpi ne, %convert_element_type3A, %cond3A : i32
    scf.if %cond3A_11 {
      %sub3A = arith.constant 1 : i32
      %sub3A_223 = arith.subi %arg0, %sub3A : i32
      %mul3A = arith.constant 8192 : i32
      %mul3A_224 = arith.muli %sub3A_223, %mul3A : i32
      %add3A = arith.constant 0 : i32
      %add3A_225 = arith.addi %mul3A_224, %add3A : i32
      %dma_wait3A = arith.constant 0 : i32
      %dma_wait3A_226 = arith.constant 0 : i32
      %dma_wait3A_227 = tpu.memref_slice %arg6[%dma_wait3A_226] : memref<16x!tpu.dma_semaphore, #tpu.memory_space<semaphore_mem>> -> memref<1x!tpu.dma_semaphore, #tpu.memory_space<semaphore_mem>>
      %dma_wait3A_228 = tpu.memref_squeeze %dma_wait3A_227 : memref<1x!tpu.dma_semaphore, #tpu.memory_space<semaphore_mem>> -> memref<!tpu.dma_semaphore, #tpu.memory_space<semaphore_mem>>
      %dma_wait3A_229 = arith.constant 0 : i32
      %dma_wait3A_230 = tpu.memref_slice %arg4[%add3A_225, %dma_wait3A_229] : memref<100000x1024xf32, #tpu.memory_space<any>> -> memref<512x1024xf32, #tpu.memory_space<any>>
      %dma_wait3A_231 = arith.constant 0 : i32
      %dma_wait3A_232 = arith.constant 0 : i32
      %dma_wait3A_233 = tpu.memref_slice %arg5[%dma_wait3A, %dma_wait3A_231, %dma_wait3A_232] : memref<16x512x1024xf32, #tpu.memory_space<vmem>> -> memref<1x512x1024xf32, #tpu.memory_space<vmem>>
      %dma_wait3A_234 = tpu.memref_squeeze %dma_wait3A_233 : memref<1x512x1024xf32, #tpu.memory_space<vmem>> -> memref<512x1024xf32, #tpu.memory_space<vmem>>
      tpu.wait_dma2 semaphore(%dma_wait3A_228 : memref<!tpu.dma_semaphore, #tpu.memory_space<semaphore_mem>>) src(%dma_wait3A_234 : memref<512x1024xf32, #tpu.memory_space<vmem>>) dst(%dma_wait3A_230 : memref<512x1024xf32, #tpu.memory_space<any>>)
    } else {
    }
    %slice3A = vector.extract_strided_slice %concatenate3A_9 {offsets = [0, 0], sizes = [33, 512], strides = [1, 1]} : vector<33x8192xf32> to vector<33x512xf32>
    %dot_general3A = arith.constant dense<0.000000e+00> : vector<512x1024xf32>
    %dot_general3A_12 = tpu.matmul %slice3A, %concatenate3A, %dot_general3A {dimension_numbers = #tpu.dot_dimension_numbers<[0], [1], [1], [0], [0, 1, 1, 0], [], []>, transpose_lhs_hint = false} : vector<33x512xf32>, vector<1024x33xf32>, vector<512x1024xf32> -> vector<512x1024xf32>
    %swap3A = arith.constant 0 : index
    %swap3A_13 = arith.constant 0 : index
    %swap3A_14 = arith.constant 0 : index
    %swap3A_15 = vector.load %arg5[%swap3A, %swap3A_13, %swap3A_14] : memref<16x512x1024xf32, #tpu.memory_space<vmem>>, vector<1x512x1024xf32>
    %swap3A_16 = vector.shape_cast %swap3A_15 : vector<1x512x1024xf32> to vector<512x1024xf32>
    %swap3A_17 = vector.shape_cast %dot_general3A_12 : vector<512x1024xf32> to vector<1x512x1024xf32>
    tpu.vector_store %arg5[%swap3A, %swap3A_13, %swap3A_14], %swap3A_17 {strides = array<i32>} : memref<16x512x1024xf32, #tpu.memory_space<vmem>>, vector<1x512x1024xf32>,
    %lt3A = arith.constant 12 : i32
    %lt3A_18 = arith.cmpi slt, %arg0, %lt3A : i32
    %convert_element_type3A_19 = arith.extui %lt3A_18 : i1 to i32
    %cond3A_20 = arith.constant 0 : i32
    %cond3A_21 = arith.cmpi ne, %convert_element_type3A_19, %cond3A_20 : i32
    scf.if %cond3A_21 {
      %mul3A = arith.constant 8192 : i32
      %mul3A_223 = arith.muli %arg0, %mul3A : i32
      %add3A = arith.constant 0 : i32
      %add3A_224 = arith.addi %mul3A_223, %add3A : i32
      %dma_start3A = arith.constant 0 : i32
      %dma_start3A_225 = arith.constant 0 : i32
      %dma_start3A_226 = tpu.memref_slice %arg6[%dma_start3A_225] : memref<16x!tpu.dma_semaphore, #tpu.memory_space<semaphore_mem>> -> memref<1x!tpu.dma_semaphore, #tpu.memory_space<semaphore_mem>>
      %dma_start3A_227 = tpu.memref_squeeze %dma_start3A_226 : memref<1x!tpu.dma_semaphore, #tpu.memory_space<semaphore_mem>> -> memref<!tpu.dma_semaphore, #tpu.memory_space<semaphore_mem>>
      %dma_start3A_228 = arith.constant 0 : i32
      %dma_start3A_229 = tpu.memref_slice %arg4[%add3A_224, %dma_start3A_228] : memref<100000x1024xf32, #tpu.memory_space<any>> -> memref<512x1024xf32, #tpu.memory_space<any>>
      %dma_start3A_230 = arith.constant 0 : i32
      %dma_start3A_231 = arith.constant 0 : i32
      %dma_start3A_232 = tpu.memref_slice %arg5[%dma_start3A, %dma_start3A_230, %dma_start3A_231] : memref<16x512x1024xf32, #tpu.memory_space<vmem>> -> memref<1x512x1024xf32, #tpu.memory_space<vmem>>
      %dma_start3A_233 = tpu.memref_squeeze %dma_start3A_232 : memref<1x512x1024xf32, #tpu.memory_space<vmem>> -> memref<512x1024xf32, #tpu.memory_space<vmem>>
      tpu.enqueue_dma source(%dma_start3A_233 : memref<512x1024xf32, #tpu.memory_space<vmem>>) target(%dma_start3A_229 : memref<512x1024xf32, #tpu.memory_space<any>>) target_semaphore(%dma_start3A_227 : memref<!tpu.dma_semaphore, #tpu.memory_space<semaphore_mem>>)
    } else {
    }
    %eq3A = arith.constant 12 : i32
    %eq3A_22 = arith.cmpi eq, %arg0, %eq3A : i32
    %convert_element_type3A_23 = arith.extui %eq3A_22 : i1 to i32
    %cond3A_24 = arith.constant 0 : i32
    %cond3A_25 = arith.cmpi ne, %convert_element_type3A_23, %cond3A_24 : i32
    scf.if %cond3A_25 {
      %mul3A = arith.constant 8192 : i32
      %mul3A_223 = arith.muli %arg0, %mul3A : i32
      %add3A = arith.constant 0 : i32
      %add3A_224 = arith.addi %mul3A_223, %add3A : i32
      %dma_start3A = arith.constant 0 : i32
      %dma_start3A_225 = arith.constant 0 : i32
      %dma_start3A_226 = tpu.memref_slice %arg6[%dma_start3A_225] : memref<16x!tpu.dma_semaphore, #tpu.memory_space<semaphore_mem>> -> memref<1x!tpu.dma_semaphore, #tpu.memory_space<semaphore_mem>>
      %dma_start3A_227 = tpu.memref_squeeze %dma_start3A_226 : memref<1x!tpu.dma_semaphore, #tpu.memory_space<semaphore_mem>> -> memref<!tpu.dma_semaphore, #tpu.memory_space<semaphore_mem>>
      %dma_start3A_228 = arith.constant 0 : i32
      %dma_start3A_229 = tpu.memref_slice %arg4[%add3A_224, %dma_start3A_228] : memref<100000x1024xf32, #tpu.memory_space<any>> -> memref<512x1024xf32, #tpu.memory_space<any>>
      %dma_start3A_230 = arith.constant 0 : i32
      %dma_start3A_231 = arith.constant 0 : i32
      %dma_start3A_232 = tpu.memref_slice %arg5[%dma_start3A, %dma_start3A_230, %dma_start3A_231] : memref<16x512x1024xf32, #tpu.memory_space<vmem>> -> memref<1x512x1024xf32, #tpu.memory_space<vmem>>
      %dma_start3A_233 = tpu.memref_squeeze %dma_start3A_232 : memref<1x512x1024xf32, #tpu.memory_space<vmem>> -> memref<512x1024xf32, #tpu.memory_space<vmem>>
      tpu.enqueue_dma source(%dma_start3A_233 : memref<512x1024xf32, #tpu.memory_space<vmem>>) target(%dma_start3A_229 : memref<512x1024xf32, #tpu.memory_space<any>>) target_semaphore(%dma_start3A_227 : memref<!tpu.dma_semaphore, #tpu.memory_space<semaphore_mem>>)
    } else {
    }
    %gt3A_26 = arith.constant 0 : i32
    %gt3A_27 = arith.cmpi sgt, %arg0, %gt3A_26 : i32
    %convert_element_type3A_28 = arith.extui %gt3A_27 : i1 to i32
    %cond3A_29 = arith.constant 0 : i32
    %cond3A_30 = arith.cmpi ne, %convert_element_type3A_28, %cond3A_29 : i32
    scf.if %cond3A_30 {
      %sub3A = arith.constant 1 : i32
      %sub3A_223 = arith.subi %arg0, %sub3A : i32
      %mul3A = arith.constant 8192 : i32
      %mul3A_224 = arith.muli %sub3A_223, %mul3A : i32
      %add3A = arith.constant 512 : i32
      %add3A_225 = arith.addi %mul3A_224, %add3A : i32
      %dma_wait3A = arith.constant 1 : i32
      %dma_wait3A_226 = arith.constant 1 : i32
      %dma_wait3A_227 = tpu.memref_slice %arg6[%dma_wait3A_226] : memref<16x!tpu.dma_semaphore, #tpu.memory_space<semaphore_mem>> -> memref<1x!tpu.dma_semaphore, #tpu.memory_space<semaphore_mem>>
      %dma_wait3A_228 = tpu.memref_squeeze %dma_wait3A_227 : memref<1x!tpu.dma_semaphore, #tpu.memory_space<semaphore_mem>> -> memref<!tpu.dma_semaphore, #tpu.memory_space<semaphore_mem>>
      %dma_wait3A_229 = arith.constant 0 : i32
      %dma_wait3A_230 = tpu.memref_slice %arg4[%add3A_225, %dma_wait3A_229] : memref<100000x1024xf32, #tpu.memory_space<any>> -> memref<512x1024xf32, #tpu.memory_space<any>>
      %dma_wait3A_231 = arith.constant 0 : i32
      %dma_wait3A_232 = arith.constant 0 : i32
      %dma_wait3A_233 = tpu.memref_slice %arg5[%dma_wait3A, %dma_wait3A_231, %dma_wait3A_232] : memref<16x512x1024xf32, #tpu.memory_space<vmem>> -> memref<1x512x1024xf32, #tpu.memory_space<vmem>>
      %dma_wait3A_234 = tpu.memref_squeeze %dma_wait3A_233 : memref<1x512x1024xf32, #tpu.memory_space<vmem>> -> memref<512x1024xf32, #tpu.memory_space<vmem>>
      tpu.wait_dma2 semaphore(%dma_wait3A_228 : memref<!tpu.dma_semaphore, #tpu.memory_space<semaphore_mem>>) src(%dma_wait3A_234 : memref<512x1024xf32, #tpu.memory_space<vmem>>) dst(%dma_wait3A_230 : memref<512x1024xf32, #tpu.memory_space<any>>)
    } else {
    }
    %slice3A_31 = vector.extract_strided_slice %concatenate3A_9 {offsets = [0, 512], sizes = [33, 512], strides = [1, 1]} : vector<33x8192xf32> to vector<33x512xf32>
    %dot_general3A_32 = arith.constant dense<0.000000e+00> : vector<512x1024xf32>
    %dot_general3A_33 = tpu.matmul %slice3A_31, %concatenate3A, %dot_general3A_32 {dimension_numbers = #tpu.dot_dimension_numbers<[0], [1], [1], [0], [0, 1, 1, 0], [], []>, transpose_lhs_hint = false} : vector<33x512xf32>, vector<1024x33xf32>, vector<512x1024xf32> -> vector<512x1024xf32>
    %swap3A_34 = arith.constant 1 : index
    %swap3A_35 = arith.constant 0 : index
    %swap3A_36 = arith.constant 0 : index
    %swap3A_37 = vector.load %arg5[%swap3A_34, %swap3A_35, %swap3A_36] : memref<16x512x1024xf32, #tpu.memory_space<vmem>>, vector<1x512x1024xf32>
    %swap3A_38 = vector.shape_cast %swap3A_37 : vector<1x512x1024xf32> to vector<512x1024xf32>
    %swap3A_39 = vector.shape_cast %dot_general3A_33 : vector<512x1024xf32> to vector<1x512x1024xf32>
    tpu.vector_store %arg5[%swap3A_34, %swap3A_35, %swap3A_36], %swap3A_39 {strides = array<i32>} : memref<16x512x1024xf32, #tpu.memory_space<vmem>>, vector<1x512x1024xf32>,
    %lt3A_40 = arith.constant 12 : i32
    %lt3A_41 = arith.cmpi slt, %arg0, %lt3A_40 : i32
    %convert_element_type3A_42 = arith.extui %lt3A_41 : i1 to i32
    %cond3A_43 = arith.constant 0 : i32
    %cond3A_44 = arith.cmpi ne, %convert_element_type3A_42, %cond3A_43 : i32
    scf.if %cond3A_44 {
      %mul3A = arith.constant 8192 : i32
      %mul3A_223 = arith.muli %arg0, %mul3A : i32
      %add3A = arith.constant 512 : i32
      %add3A_224 = arith.addi %mul3A_223, %add3A : i32
      %dma_start3A = arith.constant 1 : i32
      %dma_start3A_225 = arith.constant 1 : i32
      %dma_start3A_226 = tpu.memref_slice %arg6[%dma_start3A_225] : memref<16x!tpu.dma_semaphore, #tpu.memory_space<semaphore_mem>> -> memref<1x!tpu.dma_semaphore, #tpu.memory_space<semaphore_mem>>
      %dma_start3A_227 = tpu.memref_squeeze %dma_start3A_226 : memref<1x!tpu.dma_semaphore, #tpu.memory_space<semaphore_mem>> -> memref<!tpu.dma_semaphore, #tpu.memory_space<semaphore_mem>>
      %dma_start3A_228 = arith.constant 0 : i32
      %dma_start3A_229 = tpu.memref_slice %arg4[%add3A_224, %dma_start3A_228] : memref<100000x1024xf32, #tpu.memory_space<any>> -> memref<512x1024xf32, #tpu.memory_space<any>>
      %dma_start3A_230 = arith.constant 0 : i32
      %dma_start3A_231 = arith.constant 0 : i32
      %dma_start3A_232 = tpu.memref_slice %arg5[%dma_start3A, %dma_start3A_230, %dma_start3A_231] : memref<16x512x1024xf32, #tpu.memory_space<vmem>> -> memref<1x512x1024xf32, #tpu.memory_space<vmem>>
      %dma_start3A_233 = tpu.memref_squeeze %dma_start3A_232 : memref<1x512x1024xf32, #tpu.memory_space<vmem>> -> memref<512x1024xf32, #tpu.memory_space<vmem>>
      tpu.enqueue_dma source(%dma_start3A_233 : memref<512x1024xf32, #tpu.memory_space<vmem>>) target(%dma_start3A_229 : memref<512x1024xf32, #tpu.memory_space<any>>) target_semaphore(%dma_start3A_227 : memref<!tpu.dma_semaphore, #tpu.memory_space<semaphore_mem>>)
    } else {
    }
    %eq3A_45 = arith.constant 12 : i32
    %eq3A_46 = arith.cmpi eq, %arg0, %eq3A_45 : i32
    %convert_element_type3A_47 = arith.extui %eq3A_46 : i1 to i32
    %cond3A_48 = arith.constant 0 : i32
    %cond3A_49 = arith.cmpi ne, %convert_element_type3A_47, %cond3A_48 : i32
    scf.if %cond3A_49 {
      %mul3A = arith.constant 8192 : i32
      %mul3A_223 = arith.muli %arg0, %mul3A : i32
      %add3A = arith.constant 512 : i32
      %add3A_224 = arith.addi %mul3A_223, %add3A : i32
      %dma_start3A = arith.constant 1 : i32
      %dma_start3A_225 = arith.constant 1 : i32
      %dma_start3A_226 = tpu.memref_slice %arg6[%dma_start3A_225] : memref<16x!tpu.dma_semaphore, #tpu.memory_space<semaphore_mem>> -> memref<1x!tpu.dma_semaphore, #tpu.memory_space<semaphore_mem>>
      %dma_start3A_227 = tpu.memref_squeeze %dma_start3A_226 : memref<1x!tpu.dma_semaphore, #tpu.memory_space<semaphore_mem>> -> memref<!tpu.dma_semaphore, #tpu.memory_space<semaphore_mem>>
      %dma_start3A_228 = arith.constant 0 : i32
      %dma_start3A_229 = tpu.memref_slice %arg4[%add3A_224, %dma_start3A_228] : memref<100000x1024xf32, #tpu.memory_space<any>> -> memref<512x1024xf32, #tpu.memory_space<any>>
      %dma_start3A_230 = arith.constant 0 : i32
      %dma_start3A_231 = arith.constant 0 : i32
      %dma_start3A_232 = tpu.memref_slice %arg5[%dma_start3A, %dma_start3A_230, %dma_start3A_231] : memref<16x512x1024xf32, #tpu.memory_space<vmem>> -> memref<1x512x1024xf32, #tpu.memory_space<vmem>>
      %dma_start3A_233 = tpu.memref_squeeze %dma_start3A_232 : memref<1x512x1024xf32, #tpu.memory_space<vmem>> -> memref<512x1024xf32, #tpu.memory_space<vmem>>
      tpu.enqueue_dma source(%dma_start3A_233 : memref<512x1024xf32, #tpu.memory_space<vmem>>) target(%dma_start3A_229 : memref<512x1024xf32, #tpu.memory_space<any>>) target_semaphore(%dma_start3A_227 : memref<!tpu.dma_semaphore, #tpu.memory_space<semaphore_mem>>)
    } else {
    }
    %gt3A_50 = arith.constant 0 : i32
    %gt3A_51 = arith.cmpi sgt, %arg0, %gt3A_50 : i32
    %convert_element_type3A_52 = arith.extui %gt3A_51 : i1 to i32
    %cond3A_53 = arith.constant 0 : i32
    %cond3A_54 = arith.cmpi ne, %convert_element_type3A_52, %cond3A_53 : i32
    scf.if %cond3A_54 {
      %sub3A = arith.constant 1 : i32
      %sub3A_223 = arith.subi %arg0, %sub3A : i32
      %mul3A = arith.constant 8192 : i32
      %mul3A_224 = arith.muli %sub3A_223, %mul3A : i32
      %add3A = arith.constant 1024 : i32
      %add3A_225 = arith.addi %mul3A_224, %add3A : i32
      %dma_wait3A = arith.constant 2 : i32
      %dma_wait3A_226 = arith.constant 2 : i32
      %dma_wait3A_227 = tpu.memref_slice %arg6[%dma_wait3A_226] : memref<16x!tpu.dma_semaphore, #tpu.memory_space<semaphore_mem>> -> memref<1x!tpu.dma_semaphore, #tpu.memory_space<semaphore_mem>>
      %dma_wait3A_228 = tpu.memref_squeeze %dma_wait3A_227 : memref<1x!tpu.dma_semaphore, #tpu.memory_space<semaphore_mem>> -> memref<!tpu.dma_semaphore, #tpu.memory_space<semaphore_mem>>
      %dma_wait3A_229 = arith.constant 0 : i32
      %dma_wait3A_230 = tpu.memref_slice %arg4[%add3A_225, %dma_wait3A_229] : memref<100000x1024xf32, #tpu.memory_space<any>> -> memref<512x1024xf32, #tpu.memory_space<any>>
      %dma_wait3A_231 = arith.constant 0 : i32
      %dma_wait3A_232 = arith.constant 0 : i32
      %dma_wait3A_233 = tpu.memref_slice %arg5[%dma_wait3A, %dma_wait3A_231, %dma_wait3A_232] : memref<16x512x1024xf32, #tpu.memory_space<vmem>> -> memref<1x512x1024xf32, #tpu.memory_space<vmem>>
      %dma_wait3A_234 = tpu.memref_squeeze %dma_wait3A_233 : memref<1x512x1024xf32, #tpu.memory_space<vmem>> -> memref<512x1024xf32, #tpu.memory_space<vmem>>
      tpu.wait_dma2 semaphore(%dma_wait3A_228 : memref<!tpu.dma_semaphore, #tpu.memory_space<semaphore_mem>>) src(%dma_wait3A_234 : memref<512x1024xf32, #tpu.memory_space<vmem>>) dst(%dma_wait3A_230 : memref<512x1024xf32, #tpu.memory_space<any>>)
    } else {
    }
    %slice3A_55 = vector.extract_strided_slice %concatenate3A_9 {offsets = [0, 1024], sizes = [33, 512], strides = [1, 1]} : vector<33x8192xf32> to vector<33x512xf32>
    %dot_general3A_56 = arith.constant dense<0.000000e+00> : vector<512x1024xf32>
    %dot_general3A_57 = tpu.matmul %slice3A_55, %concatenate3A, %dot_general3A_56 {dimension_numbers = #tpu.dot_dimension_numbers<[0], [1], [1], [0], [0, 1, 1, 0], [], []>, transpose_lhs_hint = false} : vector<33x512xf32>, vector<1024x33xf32>, vector<512x1024xf32> -> vector<512x1024xf32>
    %swap3A_58 = arith.constant 2 : index
    %swap3A_59 = arith.constant 0 : index
    %swap3A_60 = arith.constant 0 : index
    %swap3A_61 = vector.load %arg5[%swap3A_58, %swap3A_59, %swap3A_60] : memref<16x512x1024xf32, #tpu.memory_space<vmem>>, vector<1x512x1024xf32>
    %swap3A_62 = vector.shape_cast %swap3A_61 : vector<1x512x1024xf32> to vector<512x1024xf32>
    %swap3A_63 = vector.shape_cast %dot_general3A_57 : vector<512x1024xf32> to vector<1x512x1024xf32>
    tpu.vector_store %arg5[%swap3A_58, %swap3A_59, %swap3A_60], %swap3A_63 {strides = array<i32>} : memref<16x512x1024xf32, #tpu.memory_space<vmem>>, vector<1x512x1024xf32>,
    %lt3A_64 = arith.constant 12 : i32
    %lt3A_65 = arith.cmpi slt, %arg0, %lt3A_64 : i32
    %convert_element_type3A_66 = arith.extui %lt3A_65 : i1 to i32
    %cond3A_67 = arith.constant 0 : i32
    %cond3A_68 = arith.cmpi ne, %convert_element_type3A_66, %cond3A_67 : i32
    scf.if %cond3A_68 {
      %mul3A = arith.constant 8192 : i32
      %mul3A_223 = arith.muli %arg0, %mul3A : i32
      %add3A = arith.constant 1024 : i32
      %add3A_224 = arith.addi %mul3A_223, %add3A : i32
      %dma_start3A = arith.constant 2 : i32
      %dma_start3A_225 = arith.constant 2 : i32
      %dma_start3A_226 = tpu.memref_slice %arg6[%dma_start3A_225] : memref<16x!tpu.dma_semaphore, #tpu.memory_space<semaphore_mem>> -> memref<1x!tpu.dma_semaphore, #tpu.memory_space<semaphore_mem>>
      %dma_start3A_227 = tpu.memref_squeeze %dma_start3A_226 : memref<1x!tpu.dma_semaphore, #tpu.memory_space<semaphore_mem>> -> memref<!tpu.dma_semaphore, #tpu.memory_space<semaphore_mem>>
      %dma_start3A_228 = arith.constant 0 : i32
      %dma_start3A_229 = tpu.memref_slice %arg4[%add3A_224, %dma_start3A_228] : memref<100000x1024xf32, #tpu.memory_space<any>> -> memref<512x1024xf32, #tpu.memory_space<any>>
      %dma_start3A_230 = arith.constant 0 : i32
      %dma_start3A_231 = arith.constant 0 : i32
      %dma_start3A_232 = tpu.memref_slice %arg5[%dma_start3A, %dma_start3A_230, %dma_start3A_231] : memref<16x512x1024xf32, #tpu.memory_space<vmem>> -> memref<1x512x1024xf32, #tpu.memory_space<vmem>>
      %dma_start3A_233 = tpu.memref_squeeze %dma_start3A_232 : memref<1x512x1024xf32, #tpu.memory_space<vmem>> -> memref<512x1024xf32, #tpu.memory_space<vmem>>
      tpu.enqueue_dma source(%dma_start3A_233 : memref<512x1024xf32, #tpu.memory_space<vmem>>) target(%dma_start3A_229 : memref<512x1024xf32, #tpu.memory_space<any>>) target_semaphore(%dma_start3A_227 : memref<!tpu.dma_semaphore, #tpu.memory_space<semaphore_mem>>)
    } else {
    }
    %eq3A_69 = arith.constant 12 : i32
    %eq3A_70 = arith.cmpi eq, %arg0, %eq3A_69 : i32
    %convert_element_type3A_71 = arith.extui %eq3A_70 : i1 to i32
    %cond3A_72 = arith.constant 0 : i32
    %cond3A_73 = arith.cmpi ne, %convert_element_type3A_71, %cond3A_72 : i32
    scf.if %cond3A_73 {
      %mul3A = arith.constant 8192 : i32
      %mul3A_223 = arith.muli %arg0, %mul3A : i32
      %add3A = arith.constant 1024 : i32
      %add3A_224 = arith.addi %mul3A_223, %add3A : i32
      %dma_start3A = arith.constant 2 : i32
      %dma_start3A_225 = arith.constant 2 : i32
      %dma_start3A_226 = tpu.memref_slice %arg6[%dma_start3A_225] : memref<16x!tpu.dma_semaphore, #tpu.memory_space<semaphore_mem>> -> memref<1x!tpu.dma_semaphore, #tpu.memory_space<semaphore_mem>>
      %dma_start3A_227 = tpu.memref_squeeze %dma_start3A_226 : memref<1x!tpu.dma_semaphore, #tpu.memory_space<semaphore_mem>> -> memref<!tpu.dma_semaphore, #tpu.memory_space<semaphore_mem>>
      %dma_start3A_228 = arith.constant 0 : i32
      %dma_start3A_229 = tpu.memref_slice %arg4[%add3A_224, %dma_start3A_228] : memref<100000x1024xf32, #tpu.memory_space<any>> -> memref<512x1024xf32, #tpu.memory_space<any>>
      %dma_start3A_230 = arith.constant 0 : i32
      %dma_start3A_231 = arith.constant 0 : i32
      %dma_start3A_232 = tpu.memref_slice %arg5[%dma_start3A, %dma_start3A_230, %dma_start3A_231] : memref<16x512x1024xf32, #tpu.memory_space<vmem>> -> memref<1x512x1024xf32, #tpu.memory_space<vmem>>
      %dma_start3A_233 = tpu.memref_squeeze %dma_start3A_232 : memref<1x512x1024xf32, #tpu.memory_space<vmem>> -> memref<512x1024xf32, #tpu.memory_space<vmem>>
      tpu.enqueue_dma source(%dma_start3A_233 : memref<512x1024xf32, #tpu.memory_space<vmem>>) target(%dma_start3A_229 : memref<512x1024xf32, #tpu.memory_space<any>>) target_semaphore(%dma_start3A_227 : memref<!tpu.dma_semaphore, #tpu.memory_space<semaphore_mem>>)
    } else {
    }
    %gt3A_74 = arith.constant 0 : i32
    %gt3A_75 = arith.cmpi sgt, %arg0, %gt3A_74 : i32
    %convert_element_type3A_76 = arith.extui %gt3A_75 : i1 to i32
    %cond3A_77 = arith.constant 0 : i32
    %cond3A_78 = arith.cmpi ne, %convert_element_type3A_76, %cond3A_77 : i32
    scf.if %cond3A_78 {
      %sub3A = arith.constant 1 : i32
      %sub3A_223 = arith.subi %arg0, %sub3A : i32
      %mul3A = arith.constant 8192 : i32
      %mul3A_224 = arith.muli %sub3A_223, %mul3A : i32
      %add3A = arith.constant 1536 : i32
      %add3A_225 = arith.addi %mul3A_224, %add3A : i32
      %dma_wait3A = arith.constant 3 : i32
      %dma_wait3A_226 = arith.constant 3 : i32
      %dma_wait3A_227 = tpu.memref_slice %arg6[%dma_wait3A_226] : memref<16x!tpu.dma_semaphore, #tpu.memory_space<semaphore_mem>> -> memref<1x!tpu.dma_semaphore, #tpu.memory_space<semaphore_mem>>
      %dma_wait3A_228 = tpu.memref_squeeze %dma_wait3A_227 : memref<1x!tpu.dma_semaphore, #tpu.memory_space<semaphore_mem>> -> memref<!tpu.dma_semaphore, #tpu.memory_space<semaphore_mem>>
      %dma_wait3A_229 = arith.constant 0 : i32
      %dma_wait3A_230 = tpu.memref_slice %arg4[%add3A_225, %dma_wait3A_229] : memref<100000x1024xf32, #tpu.memory_space<any>> -> memref<512x1024xf32, #tpu.memory_space<any>>
      %dma_wait3A_231 = arith.constant 0 : i32
      %dma_wait3A_232 = arith.constant 0 : i32
      %dma_wait3A_233 = tpu.memref_slice %arg5[%dma_wait3A, %dma_wait3A_231, %dma_wait3A_232] : memref<16x512x1024xf32, #tpu.memory_space<vmem>> -> memref<1x512x1024xf32, #tpu.memory_space<vmem>>
      %dma_wait3A_234 = tpu.memref_squeeze %dma_wait3A_233 : memref<1x512x1024xf32, #tpu.memory_space<vmem>> -> memref<512x1024xf32, #tpu.memory_space<vmem>>
      tpu.wait_dma2 semaphore(%dma_wait3A_228 : memref<!tpu.dma_semaphore, #tpu.memory_space<semaphore_mem>>) src(%dma_wait3A_234 : memref<512x1024xf32, #tpu.memory_space<vmem>>) dst(%dma_wait3A_230 : memref<512x1024xf32, #tpu.memory_space<any>>)
    } else {
    }
    %slice3A_79 = vector.extract_strided_slice %concatenate3A_9 {offsets = [0, 1536], sizes = [33, 512], strides = [1, 1]} : vector<33x8192xf32> to vector<33x512xf32>
    %dot_general3A_80 = arith.constant dense<0.000000e+00> : vector<512x1024xf32>
    %dot_general3A_81 = tpu.matmul %slice3A_79, %concatenate3A, %dot_general3A_80 {dimension_numbers = #tpu.dot_dimension_numbers<[0], [1], [1], [0], [0, 1, 1, 0], [], []>, transpose_lhs_hint = false} : vector<33x512xf32>, vector<1024x33xf32>, vector<512x1024xf32> -> vector<512x1024xf32>
    %swap3A_82 = arith.constant 3 : index
    %swap3A_83 = arith.constant 0 : index
    %swap3A_84 = arith.constant 0 : index
    %swap3A_85 = vector.load %arg5[%swap3A_82, %swap3A_83, %swap3A_84] : memref<16x512x1024xf32, #tpu.memory_space<vmem>>, vector<1x512x1024xf32>
    %swap3A_86 = vector.shape_cast %swap3A_85 : vector<1x512x1024xf32> to vector<512x1024xf32>
    %swap3A_87 = vector.shape_cast %dot_general3A_81 : vector<512x1024xf32> to vector<1x512x1024xf32>
    tpu.vector_store %arg5[%swap3A_82, %swap3A_83, %swap3A_84], %swap3A_87 {strides = array<i32>} : memref<16x512x1024xf32, #tpu.memory_space<vmem>>, vector<1x512x1024xf32>,
    %lt3A_88 = arith.constant 12 : i32
    %lt3A_89 = arith.cmpi slt, %arg0, %lt3A_88 : i32
    %convert_element_type3A_90 = arith.extui %lt3A_89 : i1 to i32
    %cond3A_91 = arith.constant 0 : i32
    %cond3A_92 = arith.cmpi ne, %convert_element_type3A_90, %cond3A_91 : i32
    scf.if %cond3A_92 {
      %mul3A = arith.constant 8192 : i32
      %mul3A_223 = arith.muli %arg0, %mul3A : i32
      %add3A = arith.constant 1536 : i32
      %add3A_224 = arith.addi %mul3A_223, %add3A : i32
      %dma_start3A = arith.constant 3 : i32
      %dma_start3A_225 = arith.constant 3 : i32
      %dma_start3A_226 = tpu.memref_slice %arg6[%dma_start3A_225] : memref<16x!tpu.dma_semaphore, #tpu.memory_space<semaphore_mem>> -> memref<1x!tpu.dma_semaphore, #tpu.memory_space<semaphore_mem>>
      %dma_start3A_227 = tpu.memref_squeeze %dma_start3A_226 : memref<1x!tpu.dma_semaphore, #tpu.memory_space<semaphore_mem>> -> memref<!tpu.dma_semaphore, #tpu.memory_space<semaphore_mem>>
      %dma_start3A_228 = arith.constant 0 : i32
      %dma_start3A_229 = tpu.memref_slice %arg4[%add3A_224, %dma_start3A_228] : memref<100000x1024xf32, #tpu.memory_space<any>> -> memref<512x1024xf32, #tpu.memory_space<any>>
      %dma_start3A_230 = arith.constant 0 : i32
      %dma_start3A_231 = arith.constant 0 : i32
      %dma_start3A_232 = tpu.memref_slice %arg5[%dma_start3A, %dma_start3A_230, %dma_start3A_231] : memref<16x512x1024xf32, #tpu.memory_space<vmem>> -> memref<1x512x1024xf32, #tpu.memory_space<vmem>>
      %dma_start3A_233 = tpu.memref_squeeze %dma_start3A_232 : memref<1x512x1024xf32, #tpu.memory_space<vmem>> -> memref<512x1024xf32, #tpu.memory_space<vmem>>
      tpu.enqueue_dma source(%dma_start3A_233 : memref<512x1024xf32, #tpu.memory_space<vmem>>) target(%dma_start3A_229 : memref<512x1024xf32, #tpu.memory_space<any>>) target_semaphore(%dma_start3A_227 : memref<!tpu.dma_semaphore, #tpu.memory_space<semaphore_mem>>)
    } else {
    }
    %eq3A_93 = arith.constant 12 : i32
    %eq3A_94 = arith.cmpi eq, %arg0, %eq3A_93 : i32
    %convert_element_type3A_95 = arith.extui %eq3A_94 : i1 to i32
    %cond3A_96 = arith.constant 0 : i32
    %cond3A_97 = arith.cmpi ne, %convert_element_type3A_95, %cond3A_96 : i32
    scf.if %cond3A_97 {
      %mul3A = arith.constant 8192 : i32
      %mul3A_223 = arith.muli %arg0, %mul3A : i32
      %add3A = arith.constant 1536 : i32
      %add3A_224 = arith.addi %mul3A_223, %add3A : i32
      %dma_start3A = arith.constant 3 : i32
      %dma_start3A_225 = arith.constant 3 : i32
      %dma_start3A_226 = tpu.memref_slice %arg6[%dma_start3A_225] : memref<16x!tpu.dma_semaphore, #tpu.memory_space<semaphore_mem>> -> memref<1x!tpu.dma_semaphore, #tpu.memory_space<semaphore_mem>>
      %dma_start3A_227 = tpu.memref_squeeze %dma_start3A_226 : memref<1x!tpu.dma_semaphore, #tpu.memory_space<semaphore_mem>> -> memref<!tpu.dma_semaphore, #tpu.memory_space<semaphore_mem>>
      %dma_start3A_228 = arith.constant 0 : i32
      %dma_start3A_229 = tpu.memref_slice %arg4[%add3A_224, %dma_start3A_228] : memref<100000x1024xf32, #tpu.memory_space<any>> -> memref<160x1024xf32, #tpu.memory_space<any>>
      %dma_start3A_230 = arith.constant 0 : i32
      %dma_start3A_231 = arith.constant 0 : i32
      %dma_start3A_232 = tpu.memref_slice %arg5[%dma_start3A, %dma_start3A_230, %dma_start3A_231] : memref<16x512x1024xf32, #tpu.memory_space<vmem>> -> memref<1x160x1024xf32, #tpu.memory_space<vmem>>
      %dma_start3A_233 = tpu.memref_squeeze %dma_start3A_232 : memref<1x160x1024xf32, #tpu.memory_space<vmem>> -> memref<160x1024xf32, #tpu.memory_space<vmem>>
      tpu.enqueue_dma source(%dma_start3A_233 : memref<160x1024xf32, #tpu.memory_space<vmem>>) target(%dma_start3A_229 : memref<160x1024xf32, #tpu.memory_space<any>>) target_semaphore(%dma_start3A_227 : memref<!tpu.dma_semaphore, #tpu.memory_space<semaphore_mem>>)
    } else {
    }
    %gt3A_98 = arith.constant 0 : i32
    %gt3A_99 = arith.cmpi sgt, %arg0, %gt3A_98 : i32
    %convert_element_type3A_100 = arith.extui %gt3A_99 : i1 to i32
    %cond3A_101 = arith.constant 0 : i32
    %cond3A_102 = arith.cmpi ne, %convert_element_type3A_100, %cond3A_101 : i32
    scf.if %cond3A_102 {
      %sub3A = arith.constant 1 : i32
      %sub3A_223 = arith.subi %arg0, %sub3A : i32
      %mul3A = arith.constant 8192 : i32
      %mul3A_224 = arith.muli %sub3A_223, %mul3A : i32
      %add3A = arith.constant 2048 : i32
      %add3A_225 = arith.addi %mul3A_224, %add3A : i32
      %dma_wait3A = arith.constant 4 : i32
      %dma_wait3A_226 = arith.constant 4 : i32
      %dma_wait3A_227 = tpu.memref_slice %arg6[%dma_wait3A_226] : memref<16x!tpu.dma_semaphore, #tpu.memory_space<semaphore_mem>> -> memref<1x!tpu.dma_semaphore, #tpu.memory_space<semaphore_mem>>
      %dma_wait3A_228 = tpu.memref_squeeze %dma_wait3A_227 : memref<1x!tpu.dma_semaphore, #tpu.memory_space<semaphore_mem>> -> memref<!tpu.dma_semaphore, #tpu.memory_space<semaphore_mem>>
      %dma_wait3A_229 = arith.constant 0 : i32
      %dma_wait3A_230 = tpu.memref_slice %arg4[%add3A_225, %dma_wait3A_229] : memref<100000x1024xf32, #tpu.memory_space<any>> -> memref<512x1024xf32, #tpu.memory_space<any>>
      %dma_wait3A_231 = arith.constant 0 : i32
      %dma_wait3A_232 = arith.constant 0 : i32
      %dma_wait3A_233 = tpu.memref_slice %arg5[%dma_wait3A, %dma_wait3A_231, %dma_wait3A_232] : memref<16x512x1024xf32, #tpu.memory_space<vmem>> -> memref<1x512x1024xf32, #tpu.memory_space<vmem>>
      %dma_wait3A_234 = tpu.memref_squeeze %dma_wait3A_233 : memref<1x512x1024xf32, #tpu.memory_space<vmem>> -> memref<512x1024xf32, #tpu.memory_space<vmem>>
      tpu.wait_dma2 semaphore(%dma_wait3A_228 : memref<!tpu.dma_semaphore, #tpu.memory_space<semaphore_mem>>) src(%dma_wait3A_234 : memref<512x1024xf32, #tpu.memory_space<vmem>>) dst(%dma_wait3A_230 : memref<512x1024xf32, #tpu.memory_space<any>>)
    } else {
    }
    %lt3A_103 = arith.constant 12 : i32
    %lt3A_104 = arith.cmpi slt, %arg0, %lt3A_103 : i32
    %convert_element_type3A_105 = arith.extui %lt3A_104 : i1 to i32
    %cond3A_106 = arith.constant 0 : i32
    %cond3A_107 = arith.cmpi ne, %convert_element_type3A_105, %cond3A_106 : i32
    scf.if %cond3A_107 {
      %slice3A_223 = vector.extract_strided_slice %concatenate3A_9 {offsets = [0, 2048], sizes = [33, 512], strides = [1, 1]} : vector<33x8192xf32> to vector<33x512xf32>
      %dot_general3A_224 = arith.constant dense<0.000000e+00> : vector<512x1024xf32>
      %dot_general3A_225 = tpu.matmul %slice3A_223, %concatenate3A, %dot_general3A_224 {dimension_numbers = #tpu.dot_dimension_numbers<[0], [1], [1], [0], [0, 1, 1, 0], [], []>, transpose_lhs_hint = false} : vector<33x512xf32>, vector<1024x33xf32>, vector<512x1024xf32> -> vector<512x1024xf32>
      %swap3A_226 = arith.constant 4 : index
      %swap3A_227 = arith.constant 0 : index
      %swap3A_228 = arith.constant 0 : index
      %swap3A_229 = vector.load %arg5[%swap3A_226, %swap3A_227, %swap3A_228] : memref<16x512x1024xf32, #tpu.memory_space<vmem>>, vector<1x512x1024xf32>
      %swap3A_230 = vector.shape_cast %swap3A_229 : vector<1x512x1024xf32> to vector<512x1024xf32>
      %swap3A_231 = vector.shape_cast %dot_general3A_225 : vector<512x1024xf32> to vector<1x512x1024xf32>
      tpu.vector_store %arg5[%swap3A_226, %swap3A_227, %swap3A_228], %swap3A_231 {strides = array<i32>} : memref<16x512x1024xf32, #tpu.memory_space<vmem>>, vector<1x512x1024xf32>,
      %mul3A = arith.constant 8192 : i32
      %mul3A_232 = arith.muli %arg0, %mul3A : i32
      %add3A = arith.constant 2048 : i32
      %add3A_233 = arith.addi %mul3A_232, %add3A : i32
      %dma_start3A = arith.constant 4 : i32
      %dma_start3A_234 = arith.constant 4 : i32
      %dma_start3A_235 = tpu.memref_slice %arg6[%dma_start3A_234] : memref<16x!tpu.dma_semaphore, #tpu.memory_space<semaphore_mem>> -> memref<1x!tpu.dma_semaphore, #tpu.memory_space<semaphore_mem>>
      %dma_start3A_236 = tpu.memref_squeeze %dma_start3A_235 : memref<1x!tpu.dma_semaphore, #tpu.memory_space<semaphore_mem>> -> memref<!tpu.dma_semaphore, #tpu.memory_space<semaphore_mem>>
      %dma_start3A_237 = arith.constant 0 : i32
      %dma_start3A_238 = tpu.memref_slice %arg4[%add3A_233, %dma_start3A_237] : memref<100000x1024xf32, #tpu.memory_space<any>> -> memref<512x1024xf32, #tpu.memory_space<any>>
      %dma_start3A_239 = arith.constant 0 : i32
      %dma_start3A_240 = arith.constant 0 : i32
      %dma_start3A_241 = tpu.memref_slice %arg5[%dma_start3A, %dma_start3A_239, %dma_start3A_240] : memref<16x512x1024xf32, #tpu.memory_space<vmem>> -> memref<1x512x1024xf32, #tpu.memory_space<vmem>>
      %dma_start3A_242 = tpu.memref_squeeze %dma_start3A_241 : memref<1x512x1024xf32, #tpu.memory_space<vmem>> -> memref<512x1024xf32, #tpu.memory_space<vmem>>
      tpu.enqueue_dma source(%dma_start3A_242 : memref<512x1024xf32, #tpu.memory_space<vmem>>) target(%dma_start3A_238 : memref<512x1024xf32, #tpu.memory_space<any>>) target_semaphore(%dma_start3A_236 : memref<!tpu.dma_semaphore, #tpu.memory_space<semaphore_mem>>)
    } else {
    }
    %gt3A_108 = arith.constant 0 : i32
    %gt3A_109 = arith.cmpi sgt, %arg0, %gt3A_108 : i32
    %convert_element_type3A_110 = arith.extui %gt3A_109 : i1 to i32
    %cond3A_111 = arith.constant 0 : i32
    %cond3A_112 = arith.cmpi ne, %convert_element_type3A_110, %cond3A_111 : i32
    scf.if %cond3A_112 {
      %sub3A = arith.constant 1 : i32
      %sub3A_223 = arith.subi %arg0, %sub3A : i32
      %mul3A = arith.constant 8192 : i32
      %mul3A_224 = arith.muli %sub3A_223, %mul3A : i32
      %add3A = arith.constant 2560 : i32
      %add3A_225 = arith.addi %mul3A_224, %add3A : i32
      %dma_wait3A = arith.constant 5 : i32
      %dma_wait3A_226 = arith.constant 5 : i32
      %dma_wait3A_227 = tpu.memref_slice %arg6[%dma_wait3A_226] : memref<16x!tpu.dma_semaphore, #tpu.memory_space<semaphore_mem>> -> memref<1x!tpu.dma_semaphore, #tpu.memory_space<semaphore_mem>>
      %dma_wait3A_228 = tpu.memref_squeeze %dma_wait3A_227 : memref<1x!tpu.dma_semaphore, #tpu.memory_space<semaphore_mem>> -> memref<!tpu.dma_semaphore, #tpu.memory_space<semaphore_mem>>
      %dma_wait3A_229 = arith.constant 0 : i32
      %dma_wait3A_230 = tpu.memref_slice %arg4[%add3A_225, %dma_wait3A_229] : memref<100000x1024xf32, #tpu.memory_space<any>> -> memref<512x1024xf32, #tpu.memory_space<any>>
      %dma_wait3A_231 = arith.constant 0 : i32
      %dma_wait3A_232 = arith.constant 0 : i32
      %dma_wait3A_233 = tpu.memref_slice %arg5[%dma_wait3A, %dma_wait3A_231, %dma_wait3A_232] : memref<16x512x1024xf32, #tpu.memory_space<vmem>> -> memref<1x512x1024xf32, #tpu.memory_space<vmem>>
      %dma_wait3A_234 = tpu.memref_squeeze %dma_wait3A_233 : memref<1x512x1024xf32, #tpu.memory_space<vmem>> -> memref<512x1024xf32, #tpu.memory_space<vmem>>
      tpu.wait_dma2 semaphore(%dma_wait3A_228 : memref<!tpu.dma_semaphore, #tpu.memory_space<semaphore_mem>>) src(%dma_wait3A_234 : memref<512x1024xf32, #tpu.memory_space<vmem>>) dst(%dma_wait3A_230 : memref<512x1024xf32, #tpu.memory_space<any>>)
    } else {
    }
    %lt3A_113 = arith.constant 12 : i32
    %lt3A_114 = arith.cmpi slt, %arg0, %lt3A_113 : i32
    %convert_element_type3A_115 = arith.extui %lt3A_114 : i1 to i32
    %cond3A_116 = arith.constant 0 : i32
    %cond3A_117 = arith.cmpi ne, %convert_element_type3A_115, %cond3A_116 : i32
    scf.if %cond3A_117 {
      %slice3A_223 = vector.extract_strided_slice %concatenate3A_9 {offsets = [0, 2560], sizes = [33, 512], strides = [1, 1]} : vector<33x8192xf32> to vector<33x512xf32>
      %dot_general3A_224 = arith.constant dense<0.000000e+00> : vector<512x1024xf32>
      %dot_general3A_225 = tpu.matmul %slice3A_223, %concatenate3A, %dot_general3A_224 {dimension_numbers = #tpu.dot_dimension_numbers<[0], [1], [1], [0], [0, 1, 1, 0], [], []>, transpose_lhs_hint = false} : vector<33x512xf32>, vector<1024x33xf32>, vector<512x1024xf32> -> vector<512x1024xf32>
      %swap3A_226 = arith.constant 5 : index
      %swap3A_227 = arith.constant 0 : index
      %swap3A_228 = arith.constant 0 : index
      %swap3A_229 = vector.load %arg5[%swap3A_226, %swap3A_227, %swap3A_228] : memref<16x512x1024xf32, #tpu.memory_space<vmem>>, vector<1x512x1024xf32>
      %swap3A_230 = vector.shape_cast %swap3A_229 : vector<1x512x1024xf32> to vector<512x1024xf32>
      %swap3A_231 = vector.shape_cast %dot_general3A_225 : vector<512x1024xf32> to vector<1x512x1024xf32>
      tpu.vector_store %arg5[%swap3A_226, %swap3A_227, %swap3A_228], %swap3A_231 {strides = array<i32>} : memref<16x512x1024xf32, #tpu.memory_space<vmem>>, vector<1x512x1024xf32>,
      %mul3A = arith.constant 8192 : i32
      %mul3A_232 = arith.muli %arg0, %mul3A : i32
      %add3A = arith.constant 2560 : i32
      %add3A_233 = arith.addi %mul3A_232, %add3A : i32
      %dma_start3A = arith.constant 5 : i32
      %dma_start3A_234 = arith.constant 5 : i32
      %dma_start3A_235 = tpu.memref_slice %arg6[%dma_start3A_234] : memref<16x!tpu.dma_semaphore, #tpu.memory_space<semaphore_mem>> -> memref<1x!tpu.dma_semaphore, #tpu.memory_space<semaphore_mem>>
      %dma_start3A_236 = tpu.memref_squeeze %dma_start3A_235 : memref<1x!tpu.dma_semaphore, #tpu.memory_space<semaphore_mem>> -> memref<!tpu.dma_semaphore, #tpu.memory_space<semaphore_mem>>
      %dma_start3A_237 = arith.constant 0 : i32
      %dma_start3A_238 = tpu.memref_slice %arg4[%add3A_233, %dma_start3A_237] : memref<100000x1024xf32, #tpu.memory_space<any>> -> memref<512x1024xf32, #tpu.memory_space<any>>
      %dma_start3A_239 = arith.constant 0 : i32
      %dma_start3A_240 = arith.constant 0 : i32
      %dma_start3A_241 = tpu.memref_slice %arg5[%dma_start3A, %dma_start3A_239, %dma_start3A_240] : memref<16x512x1024xf32, #tpu.memory_space<vmem>> -> memref<1x512x1024xf32, #tpu.memory_space<vmem>>
      %dma_start3A_242 = tpu.memref_squeeze %dma_start3A_241 : memref<1x512x1024xf32, #tpu.memory_space<vmem>> -> memref<512x1024xf32, #tpu.memory_space<vmem>>
      tpu.enqueue_dma source(%dma_start3A_242 : memref<512x1024xf32, #tpu.memory_space<vmem>>) target(%dma_start3A_238 : memref<512x1024xf32, #tpu.memory_space<any>>) target_semaphore(%dma_start3A_236 : memref<!tpu.dma_semaphore, #tpu.memory_space<semaphore_mem>>)
    } else {
    }
    %gt3A_118 = arith.constant 0 : i32
    %gt3A_119 = arith.cmpi sgt, %arg0, %gt3A_118 : i32
    %convert_element_type3A_120 = arith.extui %gt3A_119 : i1 to i32
    %cond3A_121 = arith.constant 0 : i32
    %cond3A_122 = arith.cmpi ne, %convert_element_type3A_120, %cond3A_121 : i32
    scf.if %cond3A_122 {
      %sub3A = arith.constant 1 : i32
      %sub3A_223 = arith.subi %arg0, %sub3A : i32
      %mul3A = arith.constant 8192 : i32
      %mul3A_224 = arith.muli %sub3A_223, %mul3A : i32
      %add3A = arith.constant 3072 : i32
      %add3A_225 = arith.addi %mul3A_224, %add3A : i32
      %dma_wait3A = arith.constant 6 : i32
      %dma_wait3A_226 = arith.constant 6 : i32
      %dma_wait3A_227 = tpu.memref_slice %arg6[%dma_wait3A_226] : memref<16x!tpu.dma_semaphore, #tpu.memory_space<semaphore_mem>> -> memref<1x!tpu.dma_semaphore, #tpu.memory_space<semaphore_mem>>
      %dma_wait3A_228 = tpu.memref_squeeze %dma_wait3A_227 : memref<1x!tpu.dma_semaphore, #tpu.memory_space<semaphore_mem>> -> memref<!tpu.dma_semaphore, #tpu.memory_space<semaphore_mem>>
      %dma_wait3A_229 = arith.constant 0 : i32
      %dma_wait3A_230 = tpu.memref_slice %arg4[%add3A_225, %dma_wait3A_229] : memref<100000x1024xf32, #tpu.memory_space<any>> -> memref<512x1024xf32, #tpu.memory_space<any>>
      %dma_wait3A_231 = arith.constant 0 : i32
      %dma_wait3A_232 = arith.constant 0 : i32
      %dma_wait3A_233 = tpu.memref_slice %arg5[%dma_wait3A, %dma_wait3A_231, %dma_wait3A_232] : memref<16x512x1024xf32, #tpu.memory_space<vmem>> -> memref<1x512x1024xf32, #tpu.memory_space<vmem>>
      %dma_wait3A_234 = tpu.memref_squeeze %dma_wait3A_233 : memref<1x512x1024xf32, #tpu.memory_space<vmem>> -> memref<512x1024xf32, #tpu.memory_space<vmem>>
      tpu.wait_dma2 semaphore(%dma_wait3A_228 : memref<!tpu.dma_semaphore, #tpu.memory_space<semaphore_mem>>) src(%dma_wait3A_234 : memref<512x1024xf32, #tpu.memory_space<vmem>>) dst(%dma_wait3A_230 : memref<512x1024xf32, #tpu.memory_space<any>>)
    } else {
    }
    %lt3A_123 = arith.constant 12 : i32
    %lt3A_124 = arith.cmpi slt, %arg0, %lt3A_123 : i32
    %convert_element_type3A_125 = arith.extui %lt3A_124 : i1 to i32
    %cond3A_126 = arith.constant 0 : i32
    %cond3A_127 = arith.cmpi ne, %convert_element_type3A_125, %cond3A_126 : i32
    scf.if %cond3A_127 {
      %slice3A_223 = vector.extract_strided_slice %concatenate3A_9 {offsets = [0, 3072], sizes = [33, 512], strides = [1, 1]} : vector<33x8192xf32> to vector<33x512xf32>
      %dot_general3A_224 = arith.constant dense<0.000000e+00> : vector<512x1024xf32>
      %dot_general3A_225 = tpu.matmul %slice3A_223, %concatenate3A, %dot_general3A_224 {dimension_numbers = #tpu.dot_dimension_numbers<[0], [1], [1], [0], [0, 1, 1, 0], [], []>, transpose_lhs_hint = false} : vector<33x512xf32>, vector<1024x33xf32>, vector<512x1024xf32> -> vector<512x1024xf32>
      %swap3A_226 = arith.constant 6 : index
      %swap3A_227 = arith.constant 0 : index
      %swap3A_228 = arith.constant 0 : index
      %swap3A_229 = vector.load %arg5[%swap3A_226, %swap3A_227, %swap3A_228] : memref<16x512x1024xf32, #tpu.memory_space<vmem>>, vector<1x512x1024xf32>
      %swap3A_230 = vector.shape_cast %swap3A_229 : vector<1x512x1024xf32> to vector<512x1024xf32>
      %swap3A_231 = vector.shape_cast %dot_general3A_225 : vector<512x1024xf32> to vector<1x512x1024xf32>
      tpu.vector_store %arg5[%swap3A_226, %swap3A_227, %swap3A_228], %swap3A_231 {strides = array<i32>} : memref<16x512x1024xf32, #tpu.memory_space<vmem>>, vector<1x512x1024xf32>,
      %mul3A = arith.constant 8192 : i32
      %mul3A_232 = arith.muli %arg0, %mul3A : i32
      %add3A = arith.constant 3072 : i32
      %add3A_233 = arith.addi %mul3A_232, %add3A : i32
      %dma_start3A = arith.constant 6 : i32
      %dma_start3A_234 = arith.constant 6 : i32
      %dma_start3A_235 = tpu.memref_slice %arg6[%dma_start3A_234] : memref<16x!tpu.dma_semaphore, #tpu.memory_space<semaphore_mem>> -> memref<1x!tpu.dma_semaphore, #tpu.memory_space<semaphore_mem>>
      %dma_start3A_236 = tpu.memref_squeeze %dma_start3A_235 : memref<1x!tpu.dma_semaphore, #tpu.memory_space<semaphore_mem>> -> memref<!tpu.dma_semaphore, #tpu.memory_space<semaphore_mem>>
      %dma_start3A_237 = arith.constant 0 : i32
      %dma_start3A_238 = tpu.memref_slice %arg4[%add3A_233, %dma_start3A_237] : memref<100000x1024xf32, #tpu.memory_space<any>> -> memref<512x1024xf32, #tpu.memory_space<any>>
      %dma_start3A_239 = arith.constant 0 : i32
      %dma_start3A_240 = arith.constant 0 : i32
      %dma_start3A_241 = tpu.memref_slice %arg5[%dma_start3A, %dma_start3A_239, %dma_start3A_240] : memref<16x512x1024xf32, #tpu.memory_space<vmem>> -> memref<1x512x1024xf32, #tpu.memory_space<vmem>>
      %dma_start3A_242 = tpu.memref_squeeze %dma_start3A_241 : memref<1x512x1024xf32, #tpu.memory_space<vmem>> -> memref<512x1024xf32, #tpu.memory_space<vmem>>
      tpu.enqueue_dma source(%dma_start3A_242 : memref<512x1024xf32, #tpu.memory_space<vmem>>) target(%dma_start3A_238 : memref<512x1024xf32, #tpu.memory_space<any>>) target_semaphore(%dma_start3A_236 : memref<!tpu.dma_semaphore, #tpu.memory_space<semaphore_mem>>)
    } else {
    }
    %gt3A_128 = arith.constant 0 : i32
    %gt3A_129 = arith.cmpi sgt, %arg0, %gt3A_128 : i32
    %convert_element_type3A_130 = arith.extui %gt3A_129 : i1 to i32
    %cond3A_131 = arith.constant 0 : i32
    %cond3A_132 = arith.cmpi ne, %convert_element_type3A_130, %cond3A_131 : i32
    scf.if %cond3A_132 {
      %sub3A = arith.constant 1 : i32
      %sub3A_223 = arith.subi %arg0, %sub3A : i32
      %mul3A = arith.constant 8192 : i32
      %mul3A_224 = arith.muli %sub3A_223, %mul3A : i32
      %add3A = arith.constant 3584 : i32
      %add3A_225 = arith.addi %mul3A_224, %add3A : i32
      %dma_wait3A = arith.constant 7 : i32
      %dma_wait3A_226 = arith.constant 7 : i32
      %dma_wait3A_227 = tpu.memref_slice %arg6[%dma_wait3A_226] : memref<16x!tpu.dma_semaphore, #tpu.memory_space<semaphore_mem>> -> memref<1x!tpu.dma_semaphore, #tpu.memory_space<semaphore_mem>>
      %dma_wait3A_228 = tpu.memref_squeeze %dma_wait3A_227 : memref<1x!tpu.dma_semaphore, #tpu.memory_space<semaphore_mem>> -> memref<!tpu.dma_semaphore, #tpu.memory_space<semaphore_mem>>
      %dma_wait3A_229 = arith.constant 0 : i32
      %dma_wait3A_230 = tpu.memref_slice %arg4[%add3A_225, %dma_wait3A_229] : memref<100000x1024xf32, #tpu.memory_space<any>> -> memref<512x1024xf32, #tpu.memory_space<any>>
      %dma_wait3A_231 = arith.constant 0 : i32
      %dma_wait3A_232 = arith.constant 0 : i32
      %dma_wait3A_233 = tpu.memref_slice %arg5[%dma_wait3A, %dma_wait3A_231, %dma_wait3A_232] : memref<16x512x1024xf32, #tpu.memory_space<vmem>> -> memref<1x512x1024xf32, #tpu.memory_space<vmem>>
      %dma_wait3A_234 = tpu.memref_squeeze %dma_wait3A_233 : memref<1x512x1024xf32, #tpu.memory_space<vmem>> -> memref<512x1024xf32, #tpu.memory_space<vmem>>
      tpu.wait_dma2 semaphore(%dma_wait3A_228 : memref<!tpu.dma_semaphore, #tpu.memory_space<semaphore_mem>>) src(%dma_wait3A_234 : memref<512x1024xf32, #tpu.memory_space<vmem>>) dst(%dma_wait3A_230 : memref<512x1024xf32, #tpu.memory_space<any>>)
    } else {
    }
    %lt3A_133 = arith.constant 12 : i32
    %lt3A_134 = arith.cmpi slt, %arg0, %lt3A_133 : i32
    %convert_element_type3A_135 = arith.extui %lt3A_134 : i1 to i32
    %cond3A_136 = arith.constant 0 : i32
    %cond3A_137 = arith.cmpi ne, %convert_element_type3A_135, %cond3A_136 : i32
    scf.if %cond3A_137 {
      %slice3A_223 = vector.extract_strided_slice %concatenate3A_9 {offsets = [0, 3584], sizes = [33, 512], strides = [1, 1]} : vector<33x8192xf32> to vector<33x512xf32>
      %dot_general3A_224 = arith.constant dense<0.000000e+00> : vector<512x1024xf32>
      %dot_general3A_225 = tpu.matmul %slice3A_223, %concatenate3A, %dot_general3A_224 {dimension_numbers = #tpu.dot_dimension_numbers<[0], [1], [1], [0], [0, 1, 1, 0], [], []>, transpose_lhs_hint = false} : vector<33x512xf32>, vector<1024x33xf32>, vector<512x1024xf32> -> vector<512x1024xf32>
      %swap3A_226 = arith.constant 7 : index
      %swap3A_227 = arith.constant 0 : index
      %swap3A_228 = arith.constant 0 : index
      %swap3A_229 = vector.load %arg5[%swap3A_226, %swap3A_227, %swap3A_228] : memref<16x512x1024xf32, #tpu.memory_space<vmem>>, vector<1x512x1024xf32>
      %swap3A_230 = vector.shape_cast %swap3A_229 : vector<1x512x1024xf32> to vector<512x1024xf32>
      %swap3A_231 = vector.shape_cast %dot_general3A_225 : vector<512x1024xf32> to vector<1x512x1024xf32>
      tpu.vector_store %arg5[%swap3A_226, %swap3A_227, %swap3A_228], %swap3A_231 {strides = array<i32>} : memref<16x512x1024xf32, #tpu.memory_space<vmem>>, vector<1x512x1024xf32>,
      %mul3A = arith.constant 8192 : i32
      %mul3A_232 = arith.muli %arg0, %mul3A : i32
      %add3A = arith.constant 3584 : i32
      %add3A_233 = arith.addi %mul3A_232, %add3A : i32
      %dma_start3A = arith.constant 7 : i32
      %dma_start3A_234 = arith.constant 7 : i32
      %dma_start3A_235 = tpu.memref_slice %arg6[%dma_start3A_234] : memref<16x!tpu.dma_semaphore, #tpu.memory_space<semaphore_mem>> -> memref<1x!tpu.dma_semaphore, #tpu.memory_space<semaphore_mem>>
      %dma_start3A_236 = tpu.memref_squeeze %dma_start3A_235 : memref<1x!tpu.dma_semaphore, #tpu.memory_space<semaphore_mem>> -> memref<!tpu.dma_semaphore, #tpu.memory_space<semaphore_mem>>
      %dma_start3A_237 = arith.constant 0 : i32
      %dma_start3A_238 = tpu.memref_slice %arg4[%add3A_233, %dma_start3A_237] : memref<100000x1024xf32, #tpu.memory_space<any>> -> memref<512x1024xf32, #tpu.memory_space<any>>
      %dma_start3A_239 = arith.constant 0 : i32
      %dma_start3A_240 = arith.constant 0 : i32
      %dma_start3A_241 = tpu.memref_slice %arg5[%dma_start3A, %dma_start3A_239, %dma_start3A_240] : memref<16x512x1024xf32, #tpu.memory_space<vmem>> -> memref<1x512x1024xf32, #tpu.memory_space<vmem>>
      %dma_start3A_242 = tpu.memref_squeeze %dma_start3A_241 : memref<1x512x1024xf32, #tpu.memory_space<vmem>> -> memref<512x1024xf32, #tpu.memory_space<vmem>>
      tpu.enqueue_dma source(%dma_start3A_242 : memref<512x1024xf32, #tpu.memory_space<vmem>>) target(%dma_start3A_238 : memref<512x1024xf32, #tpu.memory_space<any>>) target_semaphore(%dma_start3A_236 : memref<!tpu.dma_semaphore, #tpu.memory_space<semaphore_mem>>)
    } else {
    }
    %gt3A_138 = arith.constant 0 : i32
    %gt3A_139 = arith.cmpi sgt, %arg0, %gt3A_138 : i32
    %convert_element_type3A_140 = arith.extui %gt3A_139 : i1 to i32
    %cond3A_141 = arith.constant 0 : i32
    %cond3A_142 = arith.cmpi ne, %convert_element_type3A_140, %cond3A_141 : i32
    scf.if %cond3A_142 {
      %sub3A = arith.constant 1 : i32
      %sub3A_223 = arith.subi %arg0, %sub3A : i32
      %mul3A = arith.constant 8192 : i32
      %mul3A_224 = arith.muli %sub3A_223, %mul3A : i32
      %add3A = arith.constant 4096 : i32
      %add3A_225 = arith.addi %mul3A_224, %add3A : i32
      %dma_wait3A = arith.constant 8 : i32
      %dma_wait3A_226 = arith.constant 8 : i32
      %dma_wait3A_227 = tpu.memref_slice %arg6[%dma_wait3A_226] : memref<16x!tpu.dma_semaphore, #tpu.memory_space<semaphore_mem>> -> memref<1x!tpu.dma_semaphore, #tpu.memory_space<semaphore_mem>>
      %dma_wait3A_228 = tpu.memref_squeeze %dma_wait3A_227 : memref<1x!tpu.dma_semaphore, #tpu.memory_space<semaphore_mem>> -> memref<!tpu.dma_semaphore, #tpu.memory_space<semaphore_mem>>
      %dma_wait3A_229 = arith.constant 0 : i32
      %dma_wait3A_230 = tpu.memref_slice %arg4[%add3A_225, %dma_wait3A_229] : memref<100000x1024xf32, #tpu.memory_space<any>> -> memref<512x1024xf32, #tpu.memory_space<any>>
      %dma_wait3A_231 = arith.constant 0 : i32
      %dma_wait3A_232 = arith.constant 0 : i32
      %dma_wait3A_233 = tpu.memref_slice %arg5[%dma_wait3A, %dma_wait3A_231, %dma_wait3A_232] : memref<16x512x1024xf32, #tpu.memory_space<vmem>> -> memref<1x512x1024xf32, #tpu.memory_space<vmem>>
      %dma_wait3A_234 = tpu.memref_squeeze %dma_wait3A_233 : memref<1x512x1024xf32, #tpu.memory_space<vmem>> -> memref<512x1024xf32, #tpu.memory_space<vmem>>
      tpu.wait_dma2 semaphore(%dma_wait3A_228 : memref<!tpu.dma_semaphore, #tpu.memory_space<semaphore_mem>>) src(%dma_wait3A_234 : memref<512x1024xf32, #tpu.memory_space<vmem>>) dst(%dma_wait3A_230 : memref<512x1024xf32, #tpu.memory_space<any>>)
    } else {
    }
    %lt3A_143 = arith.constant 12 : i32
    %lt3A_144 = arith.cmpi slt, %arg0, %lt3A_143 : i32
    %convert_element_type3A_145 = arith.extui %lt3A_144 : i1 to i32
    %cond3A_146 = arith.constant 0 : i32
    %cond3A_147 = arith.cmpi ne, %convert_element_type3A_145, %cond3A_146 : i32
    scf.if %cond3A_147 {
      %slice3A_223 = vector.extract_strided_slice %concatenate3A_9 {offsets = [0, 4096], sizes = [33, 512], strides = [1, 1]} : vector<33x8192xf32> to vector<33x512xf32>
      %dot_general3A_224 = arith.constant dense<0.000000e+00> : vector<512x1024xf32>
      %dot_general3A_225 = tpu.matmul %slice3A_223, %concatenate3A, %dot_general3A_224 {dimension_numbers = #tpu.dot_dimension_numbers<[0], [1], [1], [0], [0, 1, 1, 0], [], []>, transpose_lhs_hint = false} : vector<33x512xf32>, vector<1024x33xf32>, vector<512x1024xf32> -> vector<512x1024xf32>
      %swap3A_226 = arith.constant 8 : index
      %swap3A_227 = arith.constant 0 : index
      %swap3A_228 = arith.constant 0 : index
      %swap3A_229 = vector.load %arg5[%swap3A_226, %swap3A_227, %swap3A_228] : memref<16x512x1024xf32, #tpu.memory_space<vmem>>, vector<1x512x1024xf32>
      %swap3A_230 = vector.shape_cast %swap3A_229 : vector<1x512x1024xf32> to vector<512x1024xf32>
      %swap3A_231 = vector.shape_cast %dot_general3A_225 : vector<512x1024xf32> to vector<1x512x1024xf32>
      tpu.vector_store %arg5[%swap3A_226, %swap3A_227, %swap3A_228], %swap3A_231 {strides = array<i32>} : memref<16x512x1024xf32, #tpu.memory_space<vmem>>, vector<1x512x1024xf32>,
      %mul3A = arith.constant 8192 : i32
      %mul3A_232 = arith.muli %arg0, %mul3A : i32
      %add3A = arith.constant 4096 : i32
      %add3A_233 = arith.addi %mul3A_232, %add3A : i32
      %dma_start3A = arith.constant 8 : i32
      %dma_start3A_234 = arith.constant 8 : i32
      %dma_start3A_235 = tpu.memref_slice %arg6[%dma_start3A_234] : memref<16x!tpu.dma_semaphore, #tpu.memory_space<semaphore_mem>> -> memref<1x!tpu.dma_semaphore, #tpu.memory_space<semaphore_mem>>
      %dma_start3A_236 = tpu.memref_squeeze %dma_start3A_235 : memref<1x!tpu.dma_semaphore, #tpu.memory_space<semaphore_mem>> -> memref<!tpu.dma_semaphore, #tpu.memory_space<semaphore_mem>>
      %dma_start3A_237 = arith.constant 0 : i32
      %dma_start3A_238 = tpu.memref_slice %arg4[%add3A_233, %dma_start3A_237] : memref<100000x1024xf32, #tpu.memory_space<any>> -> memref<512x1024xf32, #tpu.memory_space<any>>
      %dma_start3A_239 = arith.constant 0 : i32
      %dma_start3A_240 = arith.constant 0 : i32
      %dma_start3A_241 = tpu.memref_slice %arg5[%dma_start3A, %dma_start3A_239, %dma_start3A_240] : memref<16x512x1024xf32, #tpu.memory_space<vmem>> -> memref<1x512x1024xf32, #tpu.memory_space<vmem>>
      %dma_start3A_242 = tpu.memref_squeeze %dma_start3A_241 : memref<1x512x1024xf32, #tpu.memory_space<vmem>> -> memref<512x1024xf32, #tpu.memory_space<vmem>>
      tpu.enqueue_dma source(%dma_start3A_242 : memref<512x1024xf32, #tpu.memory_space<vmem>>) target(%dma_start3A_238 : memref<512x1024xf32, #tpu.memory_space<any>>) target_semaphore(%dma_start3A_236 : memref<!tpu.dma_semaphore, #tpu.memory_space<semaphore_mem>>)
    } else {
    }
    %gt3A_148 = arith.constant 0 : i32
    %gt3A_149 = arith.cmpi sgt, %arg0, %gt3A_148 : i32
    %convert_element_type3A_150 = arith.extui %gt3A_149 : i1 to i32
    %cond3A_151 = arith.constant 0 : i32
    %cond3A_152 = arith.cmpi ne, %convert_element_type3A_150, %cond3A_151 : i32
    scf.if %cond3A_152 {
      %sub3A = arith.constant 1 : i32
      %sub3A_223 = arith.subi %arg0, %sub3A : i32
      %mul3A = arith.constant 8192 : i32
      %mul3A_224 = arith.muli %sub3A_223, %mul3A : i32
      %add3A = arith.constant 4608 : i32
      %add3A_225 = arith.addi %mul3A_224, %add3A : i32
      %dma_wait3A = arith.constant 9 : i32
      %dma_wait3A_226 = arith.constant 9 : i32
      %dma_wait3A_227 = tpu.memref_slice %arg6[%dma_wait3A_226] : memref<16x!tpu.dma_semaphore, #tpu.memory_space<semaphore_mem>> -> memref<1x!tpu.dma_semaphore, #tpu.memory_space<semaphore_mem>>
      %dma_wait3A_228 = tpu.memref_squeeze %dma_wait3A_227 : memref<1x!tpu.dma_semaphore, #tpu.memory_space<semaphore_mem>> -> memref<!tpu.dma_semaphore, #tpu.memory_space<semaphore_mem>>
      %dma_wait3A_229 = arith.constant 0 : i32
      %dma_wait3A_230 = tpu.memref_slice %arg4[%add3A_225, %dma_wait3A_229] : memref<100000x1024xf32, #tpu.memory_space<any>> -> memref<512x1024xf32, #tpu.memory_space<any>>
      %dma_wait3A_231 = arith.constant 0 : i32
      %dma_wait3A_232 = arith.constant 0 : i32
      %dma_wait3A_233 = tpu.memref_slice %arg5[%dma_wait3A, %dma_wait3A_231, %dma_wait3A_232] : memref<16x512x1024xf32, #tpu.memory_space<vmem>> -> memref<1x512x1024xf32, #tpu.memory_space<vmem>>
      %dma_wait3A_234 = tpu.memref_squeeze %dma_wait3A_233 : memref<1x512x1024xf32, #tpu.memory_space<vmem>> -> memref<512x1024xf32, #tpu.memory_space<vmem>>
      tpu.wait_dma2 semaphore(%dma_wait3A_228 : memref<!tpu.dma_semaphore, #tpu.memory_space<semaphore_mem>>) src(%dma_wait3A_234 : memref<512x1024xf32, #tpu.memory_space<vmem>>) dst(%dma_wait3A_230 : memref<512x1024xf32, #tpu.memory_space<any>>)
    } else {
    }
    %lt3A_153 = arith.constant 12 : i32
    %lt3A_154 = arith.cmpi slt, %arg0, %lt3A_153 : i32
    %convert_element_type3A_155 = arith.extui %lt3A_154 : i1 to i32
    %cond3A_156 = arith.constant 0 : i32
    %cond3A_157 = arith.cmpi ne, %convert_element_type3A_155, %cond3A_156 : i32
    scf.if %cond3A_157 {
      %slice3A_223 = vector.extract_strided_slice %concatenate3A_9 {offsets = [0, 4608], sizes = [33, 512], strides = [1, 1]} : vector<33x8192xf32> to vector<33x512xf32>
      %dot_general3A_224 = arith.constant dense<0.000000e+00> : vector<512x1024xf32>
      %dot_general3A_225 = tpu.matmul %slice3A_223, %concatenate3A, %dot_general3A_224 {dimension_numbers = #tpu.dot_dimension_numbers<[0], [1], [1], [0], [0, 1, 1, 0], [], []>, transpose_lhs_hint = false} : vector<33x512xf32>, vector<1024x33xf32>, vector<512x1024xf32> -> vector<512x1024xf32>
      %swap3A_226 = arith.constant 9 : index
      %swap3A_227 = arith.constant 0 : index
      %swap3A_228 = arith.constant 0 : index
      %swap3A_229 = vector.load %arg5[%swap3A_226, %swap3A_227, %swap3A_228] : memref<16x512x1024xf32, #tpu.memory_space<vmem>>, vector<1x512x1024xf32>
      %swap3A_230 = vector.shape_cast %swap3A_229 : vector<1x512x1024xf32> to vector<512x1024xf32>
      %swap3A_231 = vector.shape_cast %dot_general3A_225 : vector<512x1024xf32> to vector<1x512x1024xf32>
      tpu.vector_store %arg5[%swap3A_226, %swap3A_227, %swap3A_228], %swap3A_231 {strides = array<i32>} : memref<16x512x1024xf32, #tpu.memory_space<vmem>>, vector<1x512x1024xf32>,
      %mul3A = arith.constant 8192 : i32
      %mul3A_232 = arith.muli %arg0, %mul3A : i32
      %add3A = arith.constant 4608 : i32
      %add3A_233 = arith.addi %mul3A_232, %add3A : i32
      %dma_start3A = arith.constant 9 : i32
      %dma_start3A_234 = arith.constant 9 : i32
      %dma_start3A_235 = tpu.memref_slice %arg6[%dma_start3A_234] : memref<16x!tpu.dma_semaphore, #tpu.memory_space<semaphore_mem>> -> memref<1x!tpu.dma_semaphore, #tpu.memory_space<semaphore_mem>>
      %dma_start3A_236 = tpu.memref_squeeze %dma_start3A_235 : memref<1x!tpu.dma_semaphore, #tpu.memory_space<semaphore_mem>> -> memref<!tpu.dma_semaphore, #tpu.memory_space<semaphore_mem>>
      %dma_start3A_237 = arith.constant 0 : i32
      %dma_start3A_238 = tpu.memref_slice %arg4[%add3A_233, %dma_start3A_237] : memref<100000x1024xf32, #tpu.memory_space<any>> -> memref<512x1024xf32, #tpu.memory_space<any>>
      %dma_start3A_239 = arith.constant 0 : i32
      %dma_start3A_240 = arith.constant 0 : i32
      %dma_start3A_241 = tpu.memref_slice %arg5[%dma_start3A, %dma_start3A_239, %dma_start3A_240] : memref<16x512x1024xf32, #tpu.memory_space<vmem>> -> memref<1x512x1024xf32, #tpu.memory_space<vmem>>
      %dma_start3A_242 = tpu.memref_squeeze %dma_start3A_241 : memref<1x512x1024xf32, #tpu.memory_space<vmem>> -> memref<512x1024xf32, #tpu.memory_space<vmem>>
      tpu.enqueue_dma source(%dma_start3A_242 : memref<512x1024xf32, #tpu.memory_space<vmem>>) target(%dma_start3A_238 : memref<512x1024xf32, #tpu.memory_space<any>>) target_semaphore(%dma_start3A_236 : memref<!tpu.dma_semaphore, #tpu.memory_space<semaphore_mem>>)
    } else {
    }
    %gt3A_158 = arith.constant 0 : i32
    %gt3A_159 = arith.cmpi sgt, %arg0, %gt3A_158 : i32
    %convert_element_type3A_160 = arith.extui %gt3A_159 : i1 to i32
    %cond3A_161 = arith.constant 0 : i32
    %cond3A_162 = arith.cmpi ne, %convert_element_type3A_160, %cond3A_161 : i32
    scf.if %cond3A_162 {
      %sub3A = arith.constant 1 : i32
      %sub3A_223 = arith.subi %arg0, %sub3A : i32
      %mul3A = arith.constant 8192 : i32
      %mul3A_224 = arith.muli %sub3A_223, %mul3A : i32
      %add3A = arith.constant 5120 : i32
      %add3A_225 = arith.addi %mul3A_224, %add3A : i32
      %dma_wait3A = arith.constant 10 : i32
      %dma_wait3A_226 = arith.constant 10 : i32
      %dma_wait3A_227 = tpu.memref_slice %arg6[%dma_wait3A_226] : memref<16x!tpu.dma_semaphore, #tpu.memory_space<semaphore_mem>> -> memref<1x!tpu.dma_semaphore, #tpu.memory_space<semaphore_mem>>
      %dma_wait3A_228 = tpu.memref_squeeze %dma_wait3A_227 : memref<1x!tpu.dma_semaphore, #tpu.memory_space<semaphore_mem>> -> memref<!tpu.dma_semaphore, #tpu.memory_space<semaphore_mem>>
      %dma_wait3A_229 = arith.constant 0 : i32
      %dma_wait3A_230 = tpu.memref_slice %arg4[%add3A_225, %dma_wait3A_229] : memref<100000x1024xf32, #tpu.memory_space<any>> -> memref<512x1024xf32, #tpu.memory_space<any>>
      %dma_wait3A_231 = arith.constant 0 : i32
      %dma_wait3A_232 = arith.constant 0 : i32
      %dma_wait3A_233 = tpu.memref_slice %arg5[%dma_wait3A, %dma_wait3A_231, %dma_wait3A_232] : memref<16x512x1024xf32, #tpu.memory_space<vmem>> -> memref<1x512x1024xf32, #tpu.memory_space<vmem>>
      %dma_wait3A_234 = tpu.memref_squeeze %dma_wait3A_233 : memref<1x512x1024xf32, #tpu.memory_space<vmem>> -> memref<512x1024xf32, #tpu.memory_space<vmem>>
      tpu.wait_dma2 semaphore(%dma_wait3A_228 : memref<!tpu.dma_semaphore, #tpu.memory_space<semaphore_mem>>) src(%dma_wait3A_234 : memref<512x1024xf32, #tpu.memory_space<vmem>>) dst(%dma_wait3A_230 : memref<512x1024xf32, #tpu.memory_space<any>>)
    } else {
    }
    %lt3A_163 = arith.constant 12 : i32
    %lt3A_164 = arith.cmpi slt, %arg0, %lt3A_163 : i32
    %convert_element_type3A_165 = arith.extui %lt3A_164 : i1 to i32
    %cond3A_166 = arith.constant 0 : i32
    %cond3A_167 = arith.cmpi ne, %convert_element_type3A_165, %cond3A_166 : i32
    scf.if %cond3A_167 {
      %slice3A_223 = vector.extract_strided_slice %concatenate3A_9 {offsets = [0, 5120], sizes = [33, 512], strides = [1, 1]} : vector<33x8192xf32> to vector<33x512xf32>
      %dot_general3A_224 = arith.constant dense<0.000000e+00> : vector<512x1024xf32>
      %dot_general3A_225 = tpu.matmul %slice3A_223, %concatenate3A, %dot_general3A_224 {dimension_numbers = #tpu.dot_dimension_numbers<[0], [1], [1], [0], [0, 1, 1, 0], [], []>, transpose_lhs_hint = false} : vector<33x512xf32>, vector<1024x33xf32>, vector<512x1024xf32> -> vector<512x1024xf32>
      %swap3A_226 = arith.constant 10 : index
      %swap3A_227 = arith.constant 0 : index
      %swap3A_228 = arith.constant 0 : index
      %swap3A_229 = vector.load %arg5[%swap3A_226, %swap3A_227, %swap3A_228] : memref<16x512x1024xf32, #tpu.memory_space<vmem>>, vector<1x512x1024xf32>
      %swap3A_230 = vector.shape_cast %swap3A_229 : vector<1x512x1024xf32> to vector<512x1024xf32>
      %swap3A_231 = vector.shape_cast %dot_general3A_225 : vector<512x1024xf32> to vector<1x512x1024xf32>
      tpu.vector_store %arg5[%swap3A_226, %swap3A_227, %swap3A_228], %swap3A_231 {strides = array<i32>} : memref<16x512x1024xf32, #tpu.memory_space<vmem>>, vector<1x512x1024xf32>,
      %mul3A = arith.constant 8192 : i32
      %mul3A_232 = arith.muli %arg0, %mul3A : i32
      %add3A = arith.constant 5120 : i32
      %add3A_233 = arith.addi %mul3A_232, %add3A : i32
      %dma_start3A = arith.constant 10 : i32
      %dma_start3A_234 = arith.constant 10 : i32
      %dma_start3A_235 = tpu.memref_slice %arg6[%dma_start3A_234] : memref<16x!tpu.dma_semaphore, #tpu.memory_space<semaphore_mem>> -> memref<1x!tpu.dma_semaphore, #tpu.memory_space<semaphore_mem>>
      %dma_start3A_236 = tpu.memref_squeeze %dma_start3A_235 : memref<1x!tpu.dma_semaphore, #tpu.memory_space<semaphore_mem>> -> memref<!tpu.dma_semaphore, #tpu.memory_space<semaphore_mem>>
      %dma_start3A_237 = arith.constant 0 : i32
      %dma_start3A_238 = tpu.memref_slice %arg4[%add3A_233, %dma_start3A_237] : memref<100000x1024xf32, #tpu.memory_space<any>> -> memref<512x1024xf32, #tpu.memory_space<any>>
      %dma_start3A_239 = arith.constant 0 : i32
      %dma_start3A_240 = arith.constant 0 : i32
      %dma_start3A_241 = tpu.memref_slice %arg5[%dma_start3A, %dma_start3A_239, %dma_start3A_240] : memref<16x512x1024xf32, #tpu.memory_space<vmem>> -> memref<1x512x1024xf32, #tpu.memory_space<vmem>>
      %dma_start3A_242 = tpu.memref_squeeze %dma_start3A_241 : memref<1x512x1024xf32, #tpu.memory_space<vmem>> -> memref<512x1024xf32, #tpu.memory_space<vmem>>
      tpu.enqueue_dma source(%dma_start3A_242 : memref<512x1024xf32, #tpu.memory_space<vmem>>) target(%dma_start3A_238 : memref<512x1024xf32, #tpu.memory_space<any>>) target_semaphore(%dma_start3A_236 : memref<!tpu.dma_semaphore, #tpu.memory_space<semaphore_mem>>)
    } else {
    }
    %gt3A_168 = arith.constant 0 : i32
    %gt3A_169 = arith.cmpi sgt, %arg0, %gt3A_168 : i32
    %convert_element_type3A_170 = arith.extui %gt3A_169 : i1 to i32
    %cond3A_171 = arith.constant 0 : i32
    %cond3A_172 = arith.cmpi ne, %convert_element_type3A_170, %cond3A_171 : i32
    scf.if %cond3A_172 {
      %sub3A = arith.constant 1 : i32
      %sub3A_223 = arith.subi %arg0, %sub3A : i32
      %mul3A = arith.constant 8192 : i32
      %mul3A_224 = arith.muli %sub3A_223, %mul3A : i32
      %add3A = arith.constant 5632 : i32
      %add3A_225 = arith.addi %mul3A_224, %add3A : i32
      %dma_wait3A = arith.constant 11 : i32
      %dma_wait3A_226 = arith.constant 11 : i32
      %dma_wait3A_227 = tpu.memref_slice %arg6[%dma_wait3A_226] : memref<16x!tpu.dma_semaphore, #tpu.memory_space<semaphore_mem>> -> memref<1x!tpu.dma_semaphore, #tpu.memory_space<semaphore_mem>>
      %dma_wait3A_228 = tpu.memref_squeeze %dma_wait3A_227 : memref<1x!tpu.dma_semaphore, #tpu.memory_space<semaphore_mem>> -> memref<!tpu.dma_semaphore, #tpu.memory_space<semaphore_mem>>
      %dma_wait3A_229 = arith.constant 0 : i32
      %dma_wait3A_230 = tpu.memref_slice %arg4[%add3A_225, %dma_wait3A_229] : memref<100000x1024xf32, #tpu.memory_space<any>> -> memref<512x1024xf32, #tpu.memory_space<any>>
      %dma_wait3A_231 = arith.constant 0 : i32
      %dma_wait3A_232 = arith.constant 0 : i32
      %dma_wait3A_233 = tpu.memref_slice %arg5[%dma_wait3A, %dma_wait3A_231, %dma_wait3A_232] : memref<16x512x1024xf32, #tpu.memory_space<vmem>> -> memref<1x512x1024xf32, #tpu.memory_space<vmem>>
      %dma_wait3A_234 = tpu.memref_squeeze %dma_wait3A_233 : memref<1x512x1024xf32, #tpu.memory_space<vmem>> -> memref<512x1024xf32, #tpu.memory_space<vmem>>
      tpu.wait_dma2 semaphore(%dma_wait3A_228 : memref<!tpu.dma_semaphore, #tpu.memory_space<semaphore_mem>>) src(%dma_wait3A_234 : memref<512x1024xf32, #tpu.memory_space<vmem>>) dst(%dma_wait3A_230 : memref<512x1024xf32, #tpu.memory_space<any>>)
    } else {
    }
    %lt3A_173 = arith.constant 12 : i32
    %lt3A_174 = arith.cmpi slt, %arg0, %lt3A_173 : i32
    %convert_element_type3A_175 = arith.extui %lt3A_174 : i1 to i32
    %cond3A_176 = arith.constant 0 : i32
    %cond3A_177 = arith.cmpi ne, %convert_element_type3A_175, %cond3A_176 : i32
    scf.if %cond3A_177 {
      %slice3A_223 = vector.extract_strided_slice %concatenate3A_9 {offsets = [0, 5632], sizes = [33, 512], strides = [1, 1]} : vector<33x8192xf32> to vector<33x512xf32>
      %dot_general3A_224 = arith.constant dense<0.000000e+00> : vector<512x1024xf32>
      %dot_general3A_225 = tpu.matmul %slice3A_223, %concatenate3A, %dot_general3A_224 {dimension_numbers = #tpu.dot_dimension_numbers<[0], [1], [1], [0], [0, 1, 1, 0], [], []>, transpose_lhs_hint = false} : vector<33x512xf32>, vector<1024x33xf32>, vector<512x1024xf32> -> vector<512x1024xf32>
      %swap3A_226 = arith.constant 11 : index
      %swap3A_227 = arith.constant 0 : index
      %swap3A_228 = arith.constant 0 : index
      %swap3A_229 = vector.load %arg5[%swap3A_226, %swap3A_227, %swap3A_228] : memref<16x512x1024xf32, #tpu.memory_space<vmem>>, vector<1x512x1024xf32>
      %swap3A_230 = vector.shape_cast %swap3A_229 : vector<1x512x1024xf32> to vector<512x1024xf32>
      %swap3A_231 = vector.shape_cast %dot_general3A_225 : vector<512x1024xf32> to vector<1x512x1024xf32>
      tpu.vector_store %arg5[%swap3A_226, %swap3A_227, %swap3A_228], %swap3A_231 {strides = array<i32>} : memref<16x512x1024xf32, #tpu.memory_space<vmem>>, vector<1x512x1024xf32>,
      %mul3A = arith.constant 8192 : i32
      %mul3A_232 = arith.muli %arg0, %mul3A : i32
      %add3A = arith.constant 5632 : i32
      %add3A_233 = arith.addi %mul3A_232, %add3A : i32
      %dma_start3A = arith.constant 11 : i32
      %dma_start3A_234 = arith.constant 11 : i32
      %dma_start3A_235 = tpu.memref_slice %arg6[%dma_start3A_234] : memref<16x!tpu.dma_semaphore, #tpu.memory_space<semaphore_mem>> -> memref<1x!tpu.dma_semaphore, #tpu.memory_space<semaphore_mem>>
      %dma_start3A_236 = tpu.memref_squeeze %dma_start3A_235 : memref<1x!tpu.dma_semaphore, #tpu.memory_space<semaphore_mem>> -> memref<!tpu.dma_semaphore, #tpu.memory_space<semaphore_mem>>
      %dma_start3A_237 = arith.constant 0 : i32
      %dma_start3A_238 = tpu.memref_slice %arg4[%add3A_233, %dma_start3A_237] : memref<100000x1024xf32, #tpu.memory_space<any>> -> memref<512x1024xf32, #tpu.memory_space<any>>
      %dma_start3A_239 = arith.constant 0 : i32
      %dma_start3A_240 = arith.constant 0 : i32
      %dma_start3A_241 = tpu.memref_slice %arg5[%dma_start3A, %dma_start3A_239, %dma_start3A_240] : memref<16x512x1024xf32, #tpu.memory_space<vmem>> -> memref<1x512x1024xf32, #tpu.memory_space<vmem>>
      %dma_start3A_242 = tpu.memref_squeeze %dma_start3A_241 : memref<1x512x1024xf32, #tpu.memory_space<vmem>> -> memref<512x1024xf32, #tpu.memory_space<vmem>>
      tpu.enqueue_dma source(%dma_start3A_242 : memref<512x1024xf32, #tpu.memory_space<vmem>>) target(%dma_start3A_238 : memref<512x1024xf32, #tpu.memory_space<any>>) target_semaphore(%dma_start3A_236 : memref<!tpu.dma_semaphore, #tpu.memory_space<semaphore_mem>>)
    } else {
    }
    %gt3A_178 = arith.constant 0 : i32
    %gt3A_179 = arith.cmpi sgt, %arg0, %gt3A_178 : i32
    %convert_element_type3A_180 = arith.extui %gt3A_179 : i1 to i32
    %cond3A_181 = arith.constant 0 : i32
    %cond3A_182 = arith.cmpi ne, %convert_element_type3A_180, %cond3A_181 : i32
    scf.if %cond3A_182 {
      %sub3A = arith.constant 1 : i32
      %sub3A_223 = arith.subi %arg0, %sub3A : i32
      %mul3A = arith.constant 8192 : i32
      %mul3A_224 = arith.muli %sub3A_223, %mul3A : i32
      %add3A = arith.constant 6144 : i32
      %add3A_225 = arith.addi %mul3A_224, %add3A : i32
      %dma_wait3A = arith.constant 12 : i32
      %dma_wait3A_226 = arith.constant 12 : i32
      %dma_wait3A_227 = tpu.memref_slice %arg6[%dma_wait3A_226] : memref<16x!tpu.dma_semaphore, #tpu.memory_space<semaphore_mem>> -> memref<1x!tpu.dma_semaphore, #tpu.memory_space<semaphore_mem>>
      %dma_wait3A_228 = tpu.memref_squeeze %dma_wait3A_227 : memref<1x!tpu.dma_semaphore, #tpu.memory_space<semaphore_mem>> -> memref<!tpu.dma_semaphore, #tpu.memory_space<semaphore_mem>>
      %dma_wait3A_229 = arith.constant 0 : i32
      %dma_wait3A_230 = tpu.memref_slice %arg4[%add3A_225, %dma_wait3A_229] : memref<100000x1024xf32, #tpu.memory_space<any>> -> memref<512x1024xf32, #tpu.memory_space<any>>
      %dma_wait3A_231 = arith.constant 0 : i32
      %dma_wait3A_232 = arith.constant 0 : i32
      %dma_wait3A_233 = tpu.memref_slice %arg5[%dma_wait3A, %dma_wait3A_231, %dma_wait3A_232] : memref<16x512x1024xf32, #tpu.memory_space<vmem>> -> memref<1x512x1024xf32, #tpu.memory_space<vmem>>
      %dma_wait3A_234 = tpu.memref_squeeze %dma_wait3A_233 : memref<1x512x1024xf32, #tpu.memory_space<vmem>> -> memref<512x1024xf32, #tpu.memory_space<vmem>>
      tpu.wait_dma2 semaphore(%dma_wait3A_228 : memref<!tpu.dma_semaphore, #tpu.memory_space<semaphore_mem>>) src(%dma_wait3A_234 : memref<512x1024xf32, #tpu.memory_space<vmem>>) dst(%dma_wait3A_230 : memref<512x1024xf32, #tpu.memory_space<any>>)
    } else {
    }
    %lt3A_183 = arith.constant 12 : i32
    %lt3A_184 = arith.cmpi slt, %arg0, %lt3A_183 : i32
    %convert_element_type3A_185 = arith.extui %lt3A_184 : i1 to i32
    %cond3A_186 = arith.constant 0 : i32
    %cond3A_187 = arith.cmpi ne, %convert_element_type3A_185, %cond3A_186 : i32
    scf.if %cond3A_187 {
      %slice3A_223 = vector.extract_strided_slice %concatenate3A_9 {offsets = [0, 6144], sizes = [33, 512], strides = [1, 1]} : vector<33x8192xf32> to vector<33x512xf32>
      %dot_general3A_224 = arith.constant dense<0.000000e+00> : vector<512x1024xf32>
      %dot_general3A_225 = tpu.matmul %slice3A_223, %concatenate3A, %dot_general3A_224 {dimension_numbers = #tpu.dot_dimension_numbers<[0], [1], [1], [0], [0, 1, 1, 0], [], []>, transpose_lhs_hint = false} : vector<33x512xf32>, vector<1024x33xf32>, vector<512x1024xf32> -> vector<512x1024xf32>
      %swap3A_226 = arith.constant 12 : index
      %swap3A_227 = arith.constant 0 : index
      %swap3A_228 = arith.constant 0 : index
      %swap3A_229 = vector.load %arg5[%swap3A_226, %swap3A_227, %swap3A_228] : memref<16x512x1024xf32, #tpu.memory_space<vmem>>, vector<1x512x1024xf32>
      %swap3A_230 = vector.shape_cast %swap3A_229 : vector<1x512x1024xf32> to vector<512x1024xf32>
      %swap3A_231 = vector.shape_cast %dot_general3A_225 : vector<512x1024xf32> to vector<1x512x1024xf32>
      tpu.vector_store %arg5[%swap3A_226, %swap3A_227, %swap3A_228], %swap3A_231 {strides = array<i32>} : memref<16x512x1024xf32, #tpu.memory_space<vmem>>, vector<1x512x1024xf32>,
      %mul3A = arith.constant 8192 : i32
      %mul3A_232 = arith.muli %arg0, %mul3A : i32
      %add3A = arith.constant 6144 : i32
      %add3A_233 = arith.addi %mul3A_232, %add3A : i32
      %dma_start3A = arith.constant 12 : i32
      %dma_start3A_234 = arith.constant 12 : i32
      %dma_start3A_235 = tpu.memref_slice %arg6[%dma_start3A_234] : memref<16x!tpu.dma_semaphore, #tpu.memory_space<semaphore_mem>> -> memref<1x!tpu.dma_semaphore, #tpu.memory_space<semaphore_mem>>
      %dma_start3A_236 = tpu.memref_squeeze %dma_start3A_235 : memref<1x!tpu.dma_semaphore, #tpu.memory_space<semaphore_mem>> -> memref<!tpu.dma_semaphore, #tpu.memory_space<semaphore_mem>>
      %dma_start3A_237 = arith.constant 0 : i32
      %dma_start3A_238 = tpu.memref_slice %arg4[%add3A_233, %dma_start3A_237] : memref<100000x1024xf32, #tpu.memory_space<any>> -> memref<512x1024xf32, #tpu.memory_space<any>>
      %dma_start3A_239 = arith.constant 0 : i32
      %dma_start3A_240 = arith.constant 0 : i32
      %dma_start3A_241 = tpu.memref_slice %arg5[%dma_start3A, %dma_start3A_239, %dma_start3A_240] : memref<16x512x1024xf32, #tpu.memory_space<vmem>> -> memref<1x512x1024xf32, #tpu.memory_space<vmem>>
      %dma_start3A_242 = tpu.memref_squeeze %dma_start3A_241 : memref<1x512x1024xf32, #tpu.memory_space<vmem>> -> memref<512x1024xf32, #tpu.memory_space<vmem>>
      tpu.enqueue_dma source(%dma_start3A_242 : memref<512x1024xf32, #tpu.memory_space<vmem>>) target(%dma_start3A_238 : memref<512x1024xf32, #tpu.memory_space<any>>) target_semaphore(%dma_start3A_236 : memref<!tpu.dma_semaphore, #tpu.memory_space<semaphore_mem>>)
    } else {
    }
    %gt3A_188 = arith.constant 0 : i32
    %gt3A_189 = arith.cmpi sgt, %arg0, %gt3A_188 : i32
    %convert_element_type3A_190 = arith.extui %gt3A_189 : i1 to i32
    %cond3A_191 = arith.constant 0 : i32
    %cond3A_192 = arith.cmpi ne, %convert_element_type3A_190, %cond3A_191 : i32
    scf.if %cond3A_192 {
      %sub3A = arith.constant 1 : i32
      %sub3A_223 = arith.subi %arg0, %sub3A : i32
      %mul3A = arith.constant 8192 : i32
      %mul3A_224 = arith.muli %sub3A_223, %mul3A : i32
      %add3A = arith.constant 6656 : i32
      %add3A_225 = arith.addi %mul3A_224, %add3A : i32
      %dma_wait3A = arith.constant 13 : i32
      %dma_wait3A_226 = arith.constant 13 : i32
      %dma_wait3A_227 = tpu.memref_slice %arg6[%dma_wait3A_226] : memref<16x!tpu.dma_semaphore, #tpu.memory_space<semaphore_mem>> -> memref<1x!tpu.dma_semaphore, #tpu.memory_space<semaphore_mem>>
      %dma_wait3A_228 = tpu.memref_squeeze %dma_wait3A_227 : memref<1x!tpu.dma_semaphore, #tpu.memory_space<semaphore_mem>> -> memref<!tpu.dma_semaphore, #tpu.memory_space<semaphore_mem>>
      %dma_wait3A_229 = arith.constant 0 : i32
      %dma_wait3A_230 = tpu.memref_slice %arg4[%add3A_225, %dma_wait3A_229] : memref<100000x1024xf32, #tpu.memory_space<any>> -> memref<512x1024xf32, #tpu.memory_space<any>>
      %dma_wait3A_231 = arith.constant 0 : i32
      %dma_wait3A_232 = arith.constant 0 : i32
      %dma_wait3A_233 = tpu.memref_slice %arg5[%dma_wait3A, %dma_wait3A_231, %dma_wait3A_232] : memref<16x512x1024xf32, #tpu.memory_space<vmem>> -> memref<1x512x1024xf32, #tpu.memory_space<vmem>>
      %dma_wait3A_234 = tpu.memref_squeeze %dma_wait3A_233 : memref<1x512x1024xf32, #tpu.memory_space<vmem>> -> memref<512x1024xf32, #tpu.memory_space<vmem>>
      tpu.wait_dma2 semaphore(%dma_wait3A_228 : memref<!tpu.dma_semaphore, #tpu.memory_space<semaphore_mem>>) src(%dma_wait3A_234 : memref<512x1024xf32, #tpu.memory_space<vmem>>) dst(%dma_wait3A_230 : memref<512x1024xf32, #tpu.memory_space<any>>)
    } else {
    }
    %lt3A_193 = arith.constant 12 : i32
    %lt3A_194 = arith.cmpi slt, %arg0, %lt3A_193 : i32
    %convert_element_type3A_195 = arith.extui %lt3A_194 : i1 to i32
    %cond3A_196 = arith.constant 0 : i32
    %cond3A_197 = arith.cmpi ne, %convert_element_type3A_195, %cond3A_196 : i32
    scf.if %cond3A_197 {
      %slice3A_223 = vector.extract_strided_slice %concatenate3A_9 {offsets = [0, 6656], sizes = [33, 512], strides = [1, 1]} : vector<33x8192xf32> to vector<33x512xf32>
      %dot_general3A_224 = arith.constant dense<0.000000e+00> : vector<512x1024xf32>
      %dot_general3A_225 = tpu.matmul %slice3A_223, %concatenate3A, %dot_general3A_224 {dimension_numbers = #tpu.dot_dimension_numbers<[0], [1], [1], [0], [0, 1, 1, 0], [], []>, transpose_lhs_hint = false} : vector<33x512xf32>, vector<1024x33xf32>, vector<512x1024xf32> -> vector<512x1024xf32>
      %swap3A_226 = arith.constant 13 : index
      %swap3A_227 = arith.constant 0 : index
      %swap3A_228 = arith.constant 0 : index
      %swap3A_229 = vector.load %arg5[%swap3A_226, %swap3A_227, %swap3A_228] : memref<16x512x1024xf32, #tpu.memory_space<vmem>>, vector<1x512x1024xf32>
      %swap3A_230 = vector.shape_cast %swap3A_229 : vector<1x512x1024xf32> to vector<512x1024xf32>
      %swap3A_231 = vector.shape_cast %dot_general3A_225 : vector<512x1024xf32> to vector<1x512x1024xf32>
      tpu.vector_store %arg5[%swap3A_226, %swap3A_227, %swap3A_228], %swap3A_231 {strides = array<i32>} : memref<16x512x1024xf32, #tpu.memory_space<vmem>>, vector<1x512x1024xf32>,
      %mul3A = arith.constant 8192 : i32
      %mul3A_232 = arith.muli %arg0, %mul3A : i32
      %add3A = arith.constant 6656 : i32
      %add3A_233 = arith.addi %mul3A_232, %add3A : i32
      %dma_start3A = arith.constant 13 : i32
      %dma_start3A_234 = arith.constant 13 : i32
      %dma_start3A_235 = tpu.memref_slice %arg6[%dma_start3A_234] : memref<16x!tpu.dma_semaphore, #tpu.memory_space<semaphore_mem>> -> memref<1x!tpu.dma_semaphore, #tpu.memory_space<semaphore_mem>>
      %dma_start3A_236 = tpu.memref_squeeze %dma_start3A_235 : memref<1x!tpu.dma_semaphore, #tpu.memory_space<semaphore_mem>> -> memref<!tpu.dma_semaphore, #tpu.memory_space<semaphore_mem>>
      %dma_start3A_237 = arith.constant 0 : i32
      %dma_start3A_238 = tpu.memref_slice %arg4[%add3A_233, %dma_start3A_237] : memref<100000x1024xf32, #tpu.memory_space<any>> -> memref<512x1024xf32, #tpu.memory_space<any>>
      %dma_start3A_239 = arith.constant 0 : i32
      %dma_start3A_240 = arith.constant 0 : i32
      %dma_start3A_241 = tpu.memref_slice %arg5[%dma_start3A, %dma_start3A_239, %dma_start3A_240] : memref<16x512x1024xf32, #tpu.memory_space<vmem>> -> memref<1x512x1024xf32, #tpu.memory_space<vmem>>
      %dma_start3A_242 = tpu.memref_squeeze %dma_start3A_241 : memref<1x512x1024xf32, #tpu.memory_space<vmem>> -> memref<512x1024xf32, #tpu.memory_space<vmem>>
      tpu.enqueue_dma source(%dma_start3A_242 : memref<512x1024xf32, #tpu.memory_space<vmem>>) target(%dma_start3A_238 : memref<512x1024xf32, #tpu.memory_space<any>>) target_semaphore(%dma_start3A_236 : memref<!tpu.dma_semaphore, #tpu.memory_space<semaphore_mem>>)
    } else {
    }
    %gt3A_198 = arith.constant 0 : i32
    %gt3A_199 = arith.cmpi sgt, %arg0, %gt3A_198 : i32
    %convert_element_type3A_200 = arith.extui %gt3A_199 : i1 to i32
    %cond3A_201 = arith.constant 0 : i32
    %cond3A_202 = arith.cmpi ne, %convert_element_type3A_200, %cond3A_201 : i32
    scf.if %cond3A_202 {
      %sub3A = arith.constant 1 : i32
      %sub3A_223 = arith.subi %arg0, %sub3A : i32
      %mul3A = arith.constant 8192 : i32
      %mul3A_224 = arith.muli %sub3A_223, %mul3A : i32
      %add3A = arith.constant 7168 : i32
      %add3A_225 = arith.addi %mul3A_224, %add3A : i32
      %dma_wait3A = arith.constant 14 : i32
      %dma_wait3A_226 = arith.constant 14 : i32
      %dma_wait3A_227 = tpu.memref_slice %arg6[%dma_wait3A_226] : memref<16x!tpu.dma_semaphore, #tpu.memory_space<semaphore_mem>> -> memref<1x!tpu.dma_semaphore, #tpu.memory_space<semaphore_mem>>
      %dma_wait3A_228 = tpu.memref_squeeze %dma_wait3A_227 : memref<1x!tpu.dma_semaphore, #tpu.memory_space<semaphore_mem>> -> memref<!tpu.dma_semaphore, #tpu.memory_space<semaphore_mem>>
      %dma_wait3A_229 = arith.constant 0 : i32
      %dma_wait3A_230 = tpu.memref_slice %arg4[%add3A_225, %dma_wait3A_229] : memref<100000x1024xf32, #tpu.memory_space<any>> -> memref<512x1024xf32, #tpu.memory_space<any>>
      %dma_wait3A_231 = arith.constant 0 : i32
      %dma_wait3A_232 = arith.constant 0 : i32
      %dma_wait3A_233 = tpu.memref_slice %arg5[%dma_wait3A, %dma_wait3A_231, %dma_wait3A_232] : memref<16x512x1024xf32, #tpu.memory_space<vmem>> -> memref<1x512x1024xf32, #tpu.memory_space<vmem>>
      %dma_wait3A_234 = tpu.memref_squeeze %dma_wait3A_233 : memref<1x512x1024xf32, #tpu.memory_space<vmem>> -> memref<512x1024xf32, #tpu.memory_space<vmem>>
      tpu.wait_dma2 semaphore(%dma_wait3A_228 : memref<!tpu.dma_semaphore, #tpu.memory_space<semaphore_mem>>) src(%dma_wait3A_234 : memref<512x1024xf32, #tpu.memory_space<vmem>>) dst(%dma_wait3A_230 : memref<512x1024xf32, #tpu.memory_space<any>>)
    } else {
    }
    %lt3A_203 = arith.constant 12 : i32
    %lt3A_204 = arith.cmpi slt, %arg0, %lt3A_203 : i32
    %convert_element_type3A_205 = arith.extui %lt3A_204 : i1 to i32
    %cond3A_206 = arith.constant 0 : i32
    %cond3A_207 = arith.cmpi ne, %convert_element_type3A_205, %cond3A_206 : i32
    scf.if %cond3A_207 {
      %slice3A_223 = vector.extract_strided_slice %concatenate3A_9 {offsets = [0, 7168], sizes = [33, 512], strides = [1, 1]} : vector<33x8192xf32> to vector<33x512xf32>
      %dot_general3A_224 = arith.constant dense<0.000000e+00> : vector<512x1024xf32>
      %dot_general3A_225 = tpu.matmul %slice3A_223, %concatenate3A, %dot_general3A_224 {dimension_numbers = #tpu.dot_dimension_numbers<[0], [1], [1], [0], [0, 1, 1, 0], [], []>, transpose_lhs_hint = false} : vector<33x512xf32>, vector<1024x33xf32>, vector<512x1024xf32> -> vector<512x1024xf32>
      %swap3A_226 = arith.constant 14 : index
      %swap3A_227 = arith.constant 0 : index
      %swap3A_228 = arith.constant 0 : index
      %swap3A_229 = vector.load %arg5[%swap3A_226, %swap3A_227, %swap3A_228] : memref<16x512x1024xf32, #tpu.memory_space<vmem>>, vector<1x512x1024xf32>
      %swap3A_230 = vector.shape_cast %swap3A_229 : vector<1x512x1024xf32> to vector<512x1024xf32>
      %swap3A_231 = vector.shape_cast %dot_general3A_225 : vector<512x1024xf32> to vector<1x512x1024xf32>
      tpu.vector_store %arg5[%swap3A_226, %swap3A_227, %swap3A_228], %swap3A_231 {strides = array<i32>} : memref<16x512x1024xf32, #tpu.memory_space<vmem>>, vector<1x512x1024xf32>,
      %mul3A = arith.constant 8192 : i32
      %mul3A_232 = arith.muli %arg0, %mul3A : i32
      %add3A = arith.constant 7168 : i32
      %add3A_233 = arith.addi %mul3A_232, %add3A : i32
      %dma_start3A = arith.constant 14 : i32
      %dma_start3A_234 = arith.constant 14 : i32
      %dma_start3A_235 = tpu.memref_slice %arg6[%dma_start3A_234] : memref<16x!tpu.dma_semaphore, #tpu.memory_space<semaphore_mem>> -> memref<1x!tpu.dma_semaphore, #tpu.memory_space<semaphore_mem>>
      %dma_start3A_236 = tpu.memref_squeeze %dma_start3A_235 : memref<1x!tpu.dma_semaphore, #tpu.memory_space<semaphore_mem>> -> memref<!tpu.dma_semaphore, #tpu.memory_space<semaphore_mem>>
      %dma_start3A_237 = arith.constant 0 : i32
      %dma_start3A_238 = tpu.memref_slice %arg4[%add3A_233, %dma_start3A_237] : memref<100000x1024xf32, #tpu.memory_space<any>> -> memref<512x1024xf32, #tpu.memory_space<any>>
      %dma_start3A_239 = arith.constant 0 : i32
      %dma_start3A_240 = arith.constant 0 : i32
      %dma_start3A_241 = tpu.memref_slice %arg5[%dma_start3A, %dma_start3A_239, %dma_start3A_240] : memref<16x512x1024xf32, #tpu.memory_space<vmem>> -> memref<1x512x1024xf32, #tpu.memory_space<vmem>>
      %dma_start3A_242 = tpu.memref_squeeze %dma_start3A_241 : memref<1x512x1024xf32, #tpu.memory_space<vmem>> -> memref<512x1024xf32, #tpu.memory_space<vmem>>
      tpu.enqueue_dma source(%dma_start3A_242 : memref<512x1024xf32, #tpu.memory_space<vmem>>) target(%dma_start3A_238 : memref<512x1024xf32, #tpu.memory_space<any>>) target_semaphore(%dma_start3A_236 : memref<!tpu.dma_semaphore, #tpu.memory_space<semaphore_mem>>)
    } else {
    }
    %gt3A_208 = arith.constant 0 : i32
    %gt3A_209 = arith.cmpi sgt, %arg0, %gt3A_208 : i32
    %convert_element_type3A_210 = arith.extui %gt3A_209 : i1 to i32
    %cond3A_211 = arith.constant 0 : i32
    %cond3A_212 = arith.cmpi ne, %convert_element_type3A_210, %cond3A_211 : i32
    scf.if %cond3A_212 {
      %sub3A = arith.constant 1 : i32
      %sub3A_223 = arith.subi %arg0, %sub3A : i32
      %mul3A = arith.constant 8192 : i32
      %mul3A_224 = arith.muli %sub3A_223, %mul3A : i32
      %add3A = arith.constant 7680 : i32
      %add3A_225 = arith.addi %mul3A_224, %add3A : i32
      %dma_wait3A = arith.constant 15 : i32
      %dma_wait3A_226 = arith.constant 15 : i32
      %dma_wait3A_227 = tpu.memref_slice %arg6[%dma_wait3A_226] : memref<16x!tpu.dma_semaphore, #tpu.memory_space<semaphore_mem>> -> memref<1x!tpu.dma_semaphore, #tpu.memory_space<semaphore_mem>>
      %dma_wait3A_228 = tpu.memref_squeeze %dma_wait3A_227 : memref<1x!tpu.dma_semaphore, #tpu.memory_space<semaphore_mem>> -> memref<!tpu.dma_semaphore, #tpu.memory_space<semaphore_mem>>
      %dma_wait3A_229 = arith.constant 0 : i32
      %dma_wait3A_230 = tpu.memref_slice %arg4[%add3A_225, %dma_wait3A_229] : memref<100000x1024xf32, #tpu.memory_space<any>> -> memref<512x1024xf32, #tpu.memory_space<any>>
      %dma_wait3A_231 = arith.constant 0 : i32
      %dma_wait3A_232 = arith.constant 0 : i32
      %dma_wait3A_233 = tpu.memref_slice %arg5[%dma_wait3A, %dma_wait3A_231, %dma_wait3A_232] : memref<16x512x1024xf32, #tpu.memory_space<vmem>> -> memref<1x512x1024xf32, #tpu.memory_space<vmem>>
      %dma_wait3A_234 = tpu.memref_squeeze %dma_wait3A_233 : memref<1x512x1024xf32, #tpu.memory_space<vmem>> -> memref<512x1024xf32, #tpu.memory_space<vmem>>
      tpu.wait_dma2 semaphore(%dma_wait3A_228 : memref<!tpu.dma_semaphore, #tpu.memory_space<semaphore_mem>>) src(%dma_wait3A_234 : memref<512x1024xf32, #tpu.memory_space<vmem>>) dst(%dma_wait3A_230 : memref<512x1024xf32, #tpu.memory_space<any>>)
    } else {
    }
    %lt3A_213 = arith.constant 12 : i32
    %lt3A_214 = arith.cmpi slt, %arg0, %lt3A_213 : i32
    %convert_element_type3A_215 = arith.extui %lt3A_214 : i1 to i32
    %cond3A_216 = arith.constant 0 : i32
    %cond3A_217 = arith.cmpi ne, %convert_element_type3A_215, %cond3A_216 : i32
    scf.if %cond3A_217 {
      %slice3A_223 = vector.extract_strided_slice %concatenate3A_9 {offsets = [0, 7680], sizes = [33, 512], strides = [1, 1]} : vector<33x8192xf32> to vector<33x512xf32>
      %dot_general3A_224 = arith.constant dense<0.000000e+00> : vector<512x1024xf32>
      %dot_general3A_225 = tpu.matmul %slice3A_223, %concatenate3A, %dot_general3A_224 {dimension_numbers = #tpu.dot_dimension_numbers<[0], [1], [1], [0], [0, 1, 1, 0], [], []>, transpose_lhs_hint = false} : vector<33x512xf32>, vector<1024x33xf32>, vector<512x1024xf32> -> vector<512x1024xf32>
      %swap3A_226 = arith.constant 15 : index
      %swap3A_227 = arith.constant 0 : index
      %swap3A_228 = arith.constant 0 : index
      %swap3A_229 = vector.load %arg5[%swap3A_226, %swap3A_227, %swap3A_228] : memref<16x512x1024xf32, #tpu.memory_space<vmem>>, vector<1x512x1024xf32>
      %swap3A_230 = vector.shape_cast %swap3A_229 : vector<1x512x1024xf32> to vector<512x1024xf32>
      %swap3A_231 = vector.shape_cast %dot_general3A_225 : vector<512x1024xf32> to vector<1x512x1024xf32>
      tpu.vector_store %arg5[%swap3A_226, %swap3A_227, %swap3A_228], %swap3A_231 {strides = array<i32>} : memref<16x512x1024xf32, #tpu.memory_space<vmem>>, vector<1x512x1024xf32>,
      %mul3A = arith.constant 8192 : i32
      %mul3A_232 = arith.muli %arg0, %mul3A : i32
      %add3A = arith.constant 7680 : i32
      %add3A_233 = arith.addi %mul3A_232, %add3A : i32
      %dma_start3A = arith.constant 15 : i32
      %dma_start3A_234 = arith.constant 15 : i32
      %dma_start3A_235 = tpu.memref_slice %arg6[%dma_start3A_234] : memref<16x!tpu.dma_semaphore, #tpu.memory_space<semaphore_mem>> -> memref<1x!tpu.dma_semaphore, #tpu.memory_space<semaphore_mem>>
      %dma_start3A_236 = tpu.memref_squeeze %dma_start3A_235 : memref<1x!tpu.dma_semaphore, #tpu.memory_space<semaphore_mem>> -> memref<!tpu.dma_semaphore, #tpu.memory_space<semaphore_mem>>
      %dma_start3A_237 = arith.constant 0 : i32
      %dma_start3A_238 = tpu.memref_slice %arg4[%add3A_233, %dma_start3A_237] : memref<100000x1024xf32, #tpu.memory_space<any>> -> memref<512x1024xf32, #tpu.memory_space<any>>
      %dma_start3A_239 = arith.constant 0 : i32
      %dma_start3A_240 = arith.constant 0 : i32
      %dma_start3A_241 = tpu.memref_slice %arg5[%dma_start3A, %dma_start3A_239, %dma_start3A_240] : memref<16x512x1024xf32, #tpu.memory_space<vmem>> -> memref<1x512x1024xf32, #tpu.memory_space<vmem>>
      %dma_start3A_242 = tpu.memref_squeeze %dma_start3A_241 : memref<1x512x1024xf32, #tpu.memory_space<vmem>> -> memref<512x1024xf32, #tpu.memory_space<vmem>>
      tpu.enqueue_dma source(%dma_start3A_242 : memref<512x1024xf32, #tpu.memory_space<vmem>>) target(%dma_start3A_238 : memref<512x1024xf32, #tpu.memory_space<any>>) target_semaphore(%dma_start3A_236 : memref<!tpu.dma_semaphore, #tpu.memory_space<semaphore_mem>>)
    } else {
    }
    %eq3A_218 = arith.constant 12 : i32
    %eq3A_219 = arith.cmpi eq, %arg0, %eq3A_218 : i32
    %convert_element_type3A_220 = arith.extui %eq3A_219 : i1 to i32
    %cond3A_221 = arith.constant 0 : i32
    %cond3A_222 = arith.cmpi ne, %convert_element_type3A_220, %cond3A_221 : i32
    scf.if %cond3A_222 {
      %mul3A = arith.constant 8192 : i32
      %mul3A_223 = arith.muli %arg0, %mul3A : i32
      %add3A = arith.constant 0 : i32
      %add3A_224 = arith.addi %mul3A_223, %add3A : i32
      %dma_wait3A = arith.constant 0 : i32
      %dma_wait3A_225 = arith.constant 0 : i32
      %dma_wait3A_226 = tpu.memref_slice %arg6[%dma_wait3A_225] : memref<16x!tpu.dma_semaphore, #tpu.memory_space<semaphore_mem>> -> memref<1x!tpu.dma_semaphore, #tpu.memory_space<semaphore_mem>>
      %dma_wait3A_227 = tpu.memref_squeeze %dma_wait3A_226 : memref<1x!tpu.dma_semaphore, #tpu.memory_space<semaphore_mem>> -> memref<!tpu.dma_semaphore, #tpu.memory_space<semaphore_mem>>
      %dma_wait3A_228 = arith.constant 0 : i32
      %dma_wait3A_229 = tpu.memref_slice %arg4[%add3A_224, %dma_wait3A_228] : memref<100000x1024xf32, #tpu.memory_space<any>> -> memref<512x1024xf32, #tpu.memory_space<any>>
      %dma_wait3A_230 = arith.constant 0 : i32
      %dma_wait3A_231 = arith.constant 0 : i32
      %dma_wait3A_232 = tpu.memref_slice %arg5[%dma_wait3A, %dma_wait3A_230, %dma_wait3A_231] : memref<16x512x1024xf32, #tpu.memory_space<vmem>> -> memref<1x512x1024xf32, #tpu.memory_space<vmem>>
      %dma_wait3A_233 = tpu.memref_squeeze %dma_wait3A_232 : memref<1x512x1024xf32, #tpu.memory_space<vmem>> -> memref<512x1024xf32, #tpu.memory_space<vmem>>
      tpu.wait_dma2 semaphore(%dma_wait3A_227 : memref<!tpu.dma_semaphore, #tpu.memory_space<semaphore_mem>>) src(%dma_wait3A_233 : memref<512x1024xf32, #tpu.memory_space<vmem>>) dst(%dma_wait3A_229 : memref<512x1024xf32, #tpu.memory_space<any>>)
      %mul3A_234 = arith.constant 8192 : i32
      %mul3A_235 = arith.muli %arg0, %mul3A_234 : i32
      %add3A_236 = arith.constant 512 : i32
      %add3A_237 = arith.addi %mul3A_235, %add3A_236 : i32
      %dma_wait3A_238 = arith.constant 1 : i32
      %dma_wait3A_239 = arith.constant 1 : i32
      %dma_wait3A_240 = tpu.memref_slice %arg6[%dma_wait3A_239] : memref<16x!tpu.dma_semaphore, #tpu.memory_space<semaphore_mem>> -> memref<1x!tpu.dma_semaphore, #tpu.memory_space<semaphore_mem>>
      %dma_wait3A_241 = tpu.memref_squeeze %dma_wait3A_240 : memref<1x!tpu.dma_semaphore, #tpu.memory_space<semaphore_mem>> -> memref<!tpu.dma_semaphore, #tpu.memory_space<semaphore_mem>>
      %dma_wait3A_242 = arith.constant 0 : i32
      %dma_wait3A_243 = tpu.memref_slice %arg4[%add3A_237, %dma_wait3A_242] : memref<100000x1024xf32, #tpu.memory_space<any>> -> memref<512x1024xf32, #tpu.memory_space<any>>
      %dma_wait3A_244 = arith.constant 0 : i32
      %dma_wait3A_245 = arith.constant 0 : i32
      %dma_wait3A_246 = tpu.memref_slice %arg5[%dma_wait3A_238, %dma_wait3A_244, %dma_wait3A_245] : memref<16x512x1024xf32, #tpu.memory_space<vmem>> -> memref<1x512x1024xf32, #tpu.memory_space<vmem>>
      %dma_wait3A_247 = tpu.memref_squeeze %dma_wait3A_246 : memref<1x512x1024xf32, #tpu.memory_space<vmem>> -> memref<512x1024xf32, #tpu.memory_space<vmem>>
      tpu.wait_dma2 semaphore(%dma_wait3A_241 : memref<!tpu.dma_semaphore, #tpu.memory_space<semaphore_mem>>) src(%dma_wait3A_247 : memref<512x1024xf32, #tpu.memory_space<vmem>>) dst(%dma_wait3A_243 : memref<512x1024xf32, #tpu.memory_space<any>>)
      %mul3A_248 = arith.constant 8192 : i32
      %mul3A_249 = arith.muli %arg0, %mul3A_248 : i32
      %add3A_250 = arith.constant 1024 : i32
      %add3A_251 = arith.addi %mul3A_249, %add3A_250 : i32
      %dma_wait3A_252 = arith.constant 2 : i32
      %dma_wait3A_253 = arith.constant 2 : i32
      %dma_wait3A_254 = tpu.memref_slice %arg6[%dma_wait3A_253] : memref<16x!tpu.dma_semaphore, #tpu.memory_space<semaphore_mem>> -> memref<1x!tpu.dma_semaphore, #tpu.memory_space<semaphore_mem>>
      %dma_wait3A_255 = tpu.memref_squeeze %dma_wait3A_254 : memref<1x!tpu.dma_semaphore, #tpu.memory_space<semaphore_mem>> -> memref<!tpu.dma_semaphore, #tpu.memory_space<semaphore_mem>>
      %dma_wait3A_256 = arith.constant 0 : i32
      %dma_wait3A_257 = tpu.memref_slice %arg4[%add3A_251, %dma_wait3A_256] : memref<100000x1024xf32, #tpu.memory_space<any>> -> memref<512x1024xf32, #tpu.memory_space<any>>
      %dma_wait3A_258 = arith.constant 0 : i32
      %dma_wait3A_259 = arith.constant 0 : i32
      %dma_wait3A_260 = tpu.memref_slice %arg5[%dma_wait3A_252, %dma_wait3A_258, %dma_wait3A_259] : memref<16x512x1024xf32, #tpu.memory_space<vmem>> -> memref<1x512x1024xf32, #tpu.memory_space<vmem>>
      %dma_wait3A_261 = tpu.memref_squeeze %dma_wait3A_260 : memref<1x512x1024xf32, #tpu.memory_space<vmem>> -> memref<512x1024xf32, #tpu.memory_space<vmem>>
      tpu.wait_dma2 semaphore(%dma_wait3A_255 : memref<!tpu.dma_semaphore, #tpu.memory_space<semaphore_mem>>) src(%dma_wait3A_261 : memref<512x1024xf32, #tpu.memory_space<vmem>>) dst(%dma_wait3A_257 : memref<512x1024xf32, #tpu.memory_space<any>>)
      %mul3A_262 = arith.constant 8192 : i32
      %mul3A_263 = arith.muli %arg0, %mul3A_262 : i32
      %add3A_264 = arith.constant 1536 : i32
      %add3A_265 = arith.addi %mul3A_263, %add3A_264 : i32
      %dma_wait3A_266 = arith.constant 3 : i32
      %dma_wait3A_267 = arith.constant 3 : i32
      %dma_wait3A_268 = tpu.memref_slice %arg6[%dma_wait3A_267] : memref<16x!tpu.dma_semaphore, #tpu.memory_space<semaphore_mem>> -> memref<1x!tpu.dma_semaphore, #tpu.memory_space<semaphore_mem>>
      %dma_wait3A_269 = tpu.memref_squeeze %dma_wait3A_268 : memref<1x!tpu.dma_semaphore, #tpu.memory_space<semaphore_mem>> -> memref<!tpu.dma_semaphore, #tpu.memory_space<semaphore_mem>>
      %dma_wait3A_270 = arith.constant 0 : i32
      %dma_wait3A_271 = tpu.memref_slice %arg4[%add3A_265, %dma_wait3A_270] : memref<100000x1024xf32, #tpu.memory_space<any>> -> memref<160x1024xf32, #tpu.memory_space<any>>
      %dma_wait3A_272 = arith.constant 0 : i32
      %dma_wait3A_273 = arith.constant 0 : i32
      %dma_wait3A_274 = tpu.memref_slice %arg5[%dma_wait3A_266, %dma_wait3A_272, %dma_wait3A_273] : memref<16x512x1024xf32, #tpu.memory_space<vmem>> -> memref<1x160x1024xf32, #tpu.memory_space<vmem>>
      %dma_wait3A_275 = tpu.memref_squeeze %dma_wait3A_274 : memref<1x160x1024xf32, #tpu.memory_space<vmem>> -> memref<160x1024xf32, #tpu.memory_space<vmem>>
      tpu.wait_dma2 semaphore(%dma_wait3A_269 : memref<!tpu.dma_semaphore, #tpu.memory_space<semaphore_mem>>) src(%dma_wait3A_275 : memref<160x1024xf32, #tpu.memory_space<vmem>>) dst(%dma_wait3A_271 : memref<160x1024xf32, #tpu.memory_space<any>>)
    } else {
    }
    return
  }
  func.func @transform_0(%arg0: i32) -> (i32, i32) {
    %c0_i32 = arith.constant 0 : i32
    %c0_i32_0 = arith.constant 0 : i32
    %c0_i32_1 = arith.constant 0 : i32
    return %c0_i32, %c0_i32_0 : i32, i32
  }
  func.func @transform_1(%arg0: i32) -> (i32, i32) {
    %c0_i32 = arith.constant 0 : i32
    %c0_i32_0 = arith.constant 0 : i32
    return %c0_i32, %arg0 : i32, i32
  }
  func.func @transform_2(%arg0: i32) -> (i32, i32) {
    %c0_i32 = arith.constant 0 : i32
    %c0_i32_0 = arith.constant 0 : i32
    return %c0_i32, %arg0 : i32, i32
  }
}

</mosaic_0001>

<sc_bundles>
// kernel: kernel.4.cloned.1.call-start
scs
__scs_entry_jumppad:
0x0: {  	(pc) =	sbr.rel $0x88, $3  }
0x1: {  	(tag) =	ssettag $0x0;
	lr =	simm.s32 $0x1  }
0x2: {  	[smem:$0x3F9D] =	sst lr;
	_ =	strace $0xD0000000  }
0x3: {  	_ = 	snop  }
0x4: {  	_ = 	snop  }
0x5: {  	_ = 	snop  }
0x6: {  	_ = 	snop  }
0x7: {  	_ = 	snop  }
__scs_overlays_trampoline_lowered:
0x8: {  	[smem:$0x3FAC] =	sst s0  }
0x9: {  	[smem:$0x3FAD] =	sst s1  }
0xa: {  	[smem:$0x3FAE] =	sst s2  }
0xb: {  	[smem:$0x3FAF] =	sst s3  }
0xc: {  	[smem:$0x3FB0] =	sst s4  }
0xd: {  	[smem:$0x3FB1] =	sst s5  }
0xe: {  	[smem:$0x3FB2] =	sst s6  }
0xf: {  	[smem:$0x3FB3] =	sst s7  }
0x10: {  	[smem:$0x3FB4] =	sst s8  }
0x11: {  	[smem:$0x3FB5] =	sst s9;
	s0 =	simm.s32 @!p0 $0x0  }
0x12: {  	s1 =	sld [smem:$0x3F9B];
	s0 =	simm.s32 @p0 $0x1  }
0x13: {  	[smem:$0x3FB6] =	sst s0;
	s0 =	simm.s32 @!p1 $0x0  }
0x14: {  	s2 =	sld [smem:$0x3F9A];
	s0 =	simm.s32 @p1 $0x1  }
0x15: {  	[smem:$0x3FB7] =	sst s0;
	s0 =	simm.s32 @!p2 $0x0  }
0x16: {  	s3 =	sld [smem:$0x3FDB];
	s0 =	simm.s32 @p2 $0x1  }
0x17: {  	s4 =	simm.s32 $0x1BF5;
	[smem:$0x3FB9] =	sst s0  }
0x18: {  	s0 =	sld [smem:$0x3F9C];
	_ =	swait.ge [sflag:s4], $0x0  }
0x19: {  	s7 =	sld [smem:$0x3F9D]  }
0x1a: {  	s8 =	sadd.s32 $0xFFFFE003, lr  }
0x1b: {  	s9 =	sadd.s32 $0xFFFFFEF7, lr;
	s5 =	simm.s32 $0xFFFFFFFF;
	p2 =	slt.u32 s8, $0xFFFFF086  }
0x1c: {  	p1 =	slt.u32 s9, $0xF7A;
	s5 =	simm.s32 @!p2 $0x0  }
0x1d: {  	s5 =	simm.s32 @p1 $0x1;
	p0 =	seq.s32 s7, s2  }
0x1e: {  	s7 =	smul.u32 @!p0 $0xF7A, s2;
	p2 =	seq.s32 @!p0 s5, $0x0  }
0x1f: {  	s9 =	smul.u32 $0xF7A, s1;
	s8 =	simm.s32 @!p0 $0x1BF5;
	p2 =	por !p2, p0  }
0x20: {  	[sflag:s8] =	ssyncset.s32 @!p0 $0xFFFFF086;
	s6 =	sadd.s32 @!p0 s3, s7;
	s7 =	simm.s32 @!p0 $0x108  }
0x21: {  	s3 =	sadd.s32 s3, s9;
	s6 =	sadd.s32 @!p0 $0x88, s6;
	s7 =	simm.s32 @p2 $0x1082  }
0x22: {  	[simem:s7], [sflag:s8] =	dma.local @!p0 [hbm:s6], $0xF7A  }
0x23: {  	s9 =	sor.u32 $0xD0000000, s2;
	s6 =	simm.s32 $0x108;
	_ =	swait.ge @!p0 [sflag:s8], $0x0  }
0x24: {  	s3 =	sadd.s32 $0x88, s3;
	s6 =	simm.s32 @!p1 $0x1082;
	[sflag:s4] =	ssyncset.s32 $0xFFFFF086  }
0x25: {  	[simem:s6], [sflag:s4] =	dma.local [hbm:s3], $0xF7A  }
0x26: {  	[smem:$0x3F9D] =	sst s1;
	(tag) =	ssettag s2;
	_ =	strace s9  }
0x27: {  	s1 =	sld [smem:$0x3FAD]  }
0x28: {  	s2 =	sld [smem:$0x3FAE]  }
0x29: {  	s4 =	sld [smem:$0x3FB0]  }
0x2a: {  	p0 =	seq.s32 s5, $0x0;
	s5 =	sld [smem:$0x3FB1]  }
0x2b: {  	s6 =	sld [smem:$0x3FB2]  }
0x2c: {  	s7 =	sld [smem:$0x3FB3]  }
0x2d: {  	s3 =	simm.s32 $0x108;
	s8 =	sld [smem:$0x3FB4]  }
0x2e: {  	s3 =	simm.s32 @!p0 $0x1082;
	s9 =	sld [smem:$0x3FB5]  }
0x2f: {  	lr =	sadd.s32 s0, s3;
	s0 =	sld [smem:$0x3FAC]  }
0x30: {  	s3 =	sld [smem:$0x3FAF]  }
0x31: {  	[smem:$0x3FB8] =	sst s10  }
0x32: {  	s10 =	sld [smem:$0x3FB6];
	_ =	sdelay $0x3  }
0x33: {  	p0 =	seq.s32 s10, $0x1;
	s10 =	sld [smem:$0x3FB8];
	_ =	sdelay $0x3  }
0x34: {  	[smem:$0x3FB8] =	sst s10  }
0x35: {  	s10 =	sld [smem:$0x3FB7];
	_ =	sdelay $0x3  }
0x36: {  	p1 =	seq.s32 s10, $0x1;
	s10 =	sld [smem:$0x3FB8];
	_ =	sdelay $0x3  }
0x37: {  	[smem:$0x3FB8] =	sst s10  }
0x38: {  	s10 =	sld [smem:$0x3FB9]  }
0x39: {  	_ = 	snop;
	(pc) =	sbr.ind lr, $3  }
0x3a: {  	_ = 	snop  }
0x3b: {  	_ = 	snop  }
0x3c: {  	p2 =	seq.s32 s10, $0x1;
	s10 =	sld [smem:$0x3FB8]  }
0x3d: {  	_ =	shalt  }
0x3e: {  	_ =	shalt  }
0x3f: {  	_ =	shalt  }
0x40: {  	_ =	shalt  }
0x41: {  	_ =	shalt  }
0x42: {  	_ =	shalt  }
0x43: {  	_ =	shalt  }
0x44: {  	_ =	shalt  }
0x45: {  	_ =	shalt  }
0x46: {  	_ =	shalt  }
0x47: {  	_ =	shalt  }
0x48: {  	_ =	shalt  }
0x49: {  	_ =	shalt  }
0x4a: {  	_ =	shalt  }
0x4b: {  	_ =	shalt  }
0x4c: {  	_ =	shalt  }
0x4d: {  	_ =	shalt  }
0x4e: {  	_ =	shalt  }
0x4f: {  	_ =	shalt  }
0x50: {  	_ =	shalt  }
0x51: {  	_ =	shalt  }
0x52: {  	_ =	shalt  }
0x53: {  	_ =	shalt  }
0x54: {  	_ =	shalt  }
0x55: {  	_ =	shalt  }
0x56: {  	_ =	shalt  }
0x57: {  	_ =	shalt  }
0x58: {  	_ =	shalt  }
0x59: {  	_ =	shalt  }
0x5a: {  	_ =	shalt  }
0x5b: {  	_ =	shalt  }
0x5c: {  	_ =	shalt  }
0x5d: {  	_ =	shalt  }
0x5e: {  	_ =	shalt  }
0x5f: {  	_ =	shalt  }
0x60: {  	_ =	shalt  }
0x61: {  	_ =	shalt  }
0x62: {  	_ =	shalt  }
0x63: {  	_ =	shalt  }
0x64: {  	_ =	shalt  }
0x65: {  	_ =	shalt  }
0x66: {  	_ =	shalt  }
0x67: {  	_ =	shalt  }
0x68: {  	_ =	shalt  }
0x69: {  	_ =	shalt  }
0x6a: {  	_ =	shalt  }
0x6b: {  	_ =	shalt  }
0x6c: {  	_ =	shalt  }
0x6d: {  	_ =	shalt  }
0x6e: {  	_ =	shalt  }
0x6f: {  	_ =	shalt  }
0x70: {  	_ =	shalt  }
0x71: {  	_ =	shalt  }
0x72: {  	_ =	shalt  }
0x73: {  	_ =	shalt  }
0x74: {  	_ =	shalt  }
0x75: {  	_ =	shalt  }
0x76: {  	_ =	shalt  }
0x77: {  	_ =	shalt  }
0x78: {  	_ =	shalt  }
0x79: {  	_ =	shalt  }
0x7a: {  	_ =	shalt  }
0x7b: {  	_ =	shalt  }
0x7c: {  	_ =	shalt  }
0x7d: {  	_ =	shalt  }
0x7e: {  	_ =	shalt  }
0x7f: {  	_ =	shalt  }
0x80: {  	_ =	shalt  }
0x81: {  	_ =	shalt  }
0x82: {  	_ =	shalt  }
0x83: {  	_ =	shalt  }
0x84: {  	_ =	shalt  }
0x85: {  	_ =	shalt  }
0x86: {  	_ =	shalt  }
0x87: {  	_ =	shalt  }
.Lfunc_end0:
.L_simem_size_0:
called_computation_lowered:
.L_overlay_start_0:
0x88: {  	s2 =	sld [smem:$0x3FD9]  }
0x89: {  	s3 =	sld [smem:$0x3FFE];
	_ =	sdelay $0x1  }
0x8a: {  	s1 =	srdreg.scid  }
0x8b: {  	s0 =	sand.u32 $0x1, s1  }
0x8c: {  	s17 =	sshll.u32 s0, $0xA;
	s2 =	sadd.s32 s3, s2  }
0x8d: {  	s2 =	sadd.s32 s2, s17  }
0x8e: {  	[smem:$0x3FC4] =	sst s2  }
0x8f: {  	_ = 	snop  }
0x90: {  	s2 =	sld [smem:$0x3FC9]  }
0x91: {  	s18 =	sld [smem:$0x3FD0];
	(tm) =	ssettm $0x1  }
0x92: {  	s4 =	sld [smem:$0x3FFB];
	_ =	sdelay $0x3  }
0x93: {  	_ =	strace s4  }
0x94: {  	s4 =	sld [smem:$0x3FFC];
	_ =	sdelay $0x3  }
0x95: {  	_ =	strace s4  }
0x96: {  	s4 =	sld [smem:$0x3FFD];
	_ =	sdelay $0x3  }
0x97: {  	_ =	strace s4  }
0x98: {  	_ =	strace $0x8FFFFFFF  }
0x99: {  	s19 =	sld [smem:$0x3FDB];
	_ =	sdelay $0x1  }
0x9a: {  	s5 =	simm.s32 $_scs_section_size  }
0x9b: {  	s6 =	simm.s32 $_size__tile_overlayer_lowered;
	s7 =	simm.s32 $_tile_overlayer_lowered  }
0x9c: {  	s22 =	simm.s32 $0x1BFF;
	s21 =	sshll.u32 s7, $0x1;
	s4 =	sadd.s32 s5, s19  }
0x9d: {  	s8 =	simm.s32 $0x0;
	s20 =	sshll.u32 s6, $0x1;
	s6 =	sadd.s32 s21, s4  }
0x9e: {  	[timem:s8], [sflag:s22] =	dma.local [hbm:s6], s20  }
0x9f: {  	_ =	swait.ge [sflag:s22], s20  }
0xa0: {  	s5 =	ssub.s32 $0x0, s20;
	[sflag:s22] =	ssyncset.done $0x0  }
0xa1: {  	[sflag:s22] =	ssyncadd.s32 s5;
	_ =	sdelay $0x1  }
0xa2: {  	s23 =	simm.s32 $0x1B8B  }
0xa3: {  	_ =	swait.ge [sflag:s23], $0x1  }
0xa4: {  	[sflag:s23] =	ssyncset.done $0x0  }
0xa5: {  	s25 =	simm.s32 $0x1B8E;
	s24 =	sld [smem:$0x3FFE];
	[sflag:s23] =	ssyncadd.s32 $0xFFFFFFFF  }
0xa6: {  	s26 =	simm.s32 $execute0_lowered;
	[smem:$0x3FD2] =	sst s25  }
0xa7: {  	s6 =	sshll.u32 s26, $0x1;
	_ =	strace $0x80000046;
	[dreg:$0x1] =	wrdreg $0xFFFFFFFF  }
0xa8: {  	s28 =	simm.s32 $_size_execute0_lowered;
	s4 =	sadd.s32 s4, s6;
	[dreg:$0x0] =	wrdreg $0x0  }
0xa9: {  	s6 =	sshll.u32 s28, $0x1;
	[dreg:$0x2] =	wrdreg s4  }
0xaa: {  	[dreg:$0x3] =	wrdreg s6  }
0xab: {  	[dreg:$0x4] =	wrdreg $0xC0  }
0xac: {  	_ =	task [dreg:s8], $0x5FFFF  }
0xad: {  	[dreg:$0x1] =	wrdreg $0xFFFFFFFF  }
0xae: {  	[dreg:$0x0] =	wrdreg $0x60  }
0xaf: {  	[dreg:$0x2] =	wrdreg s24  }
0xb0: {  	[dreg:$0x3] =	wrdreg s2  }
0xb1: {  	[dreg:$0x4] =	wrdreg s18  }
0xb2: {  	[dreg:$0x5] =	wrdreg $0x9  }
0xb3: {  	_ =	task.clear_ibuf [dreg:s8], $0x6FFFF;
	_ =	strace $0x90000046  }
0xb4: {  	s29 =	simm.s32 $0x9;
	_ =	strace $0x80000048  }
0xb5: {  	_ =	swait.ge [sflag:s29], $0x1  }
0xb6: {  	[sflag:s29] =	ssyncadd.s32 $0xFFFFFFFF  }
0xb7: {  	_ =	strace $0x90000048  }
0xb8: {  	_ =	sfence  }
0xb9: {  	s30 =	sld [smem:$0x0];
	_ =	sdelay $0x2  }
0xba: {  	s31 =	sshll.u32 s1, $0xD;
	s1 =	sshrl.u32 s1, $0x2  }
0xbb: {  	s3 =	sand.u32 $0x4000, s31;
	s1 =	sadd.s32 s1, s30  }
0xbc: {  	s0 =	sor.u32 s3, s0;
	s1 =	sshll.u32 s1, $0x11  }
0xbd: {  	s0 =	sor.u32 s1, s0  }
0xbe: {  	s0 =	sadd.s32 $0x8F2B, s0  }
0xbf: {  	[sflag:s0] =	ssyncadd.remote.s32 $0x1  }
0xc0: {  	_ =	sfence.sel $0xFFFF  }
0xc1: {  	[dreg:$0x0] =	wrdreg $0xFFFFFFFF;
	(pc) =	sbr.abs _section_cstart, $3  }
0xc2: {  	[dreg:$0x1] =	wrdreg $0xFFFFFFFF  }
0xc3: {  	_ =	task.clear_ibuf [dreg:s8], $0x2FFFF;
	_ =	strace $0x9FFFFFFF  }
0xc4: {  	(tm) =	ssettm $0x7FFFFFFF  }
0xc5: {  	_ =	shalt  }
tec
execute0_lowered:
.L_overlay_start_1:
0x0: {  	(tag) =	ssettag $0x1  }
0x1: {  	s5 =	rddreg [dreg:$0x0]  }
0x2: {  	s1 =	srdreg.scid;
	s3 =	rddreg [dreg:$0x1]  }
0x3: {  	s0 =	stileid.u32;
	s8 =	rddreg [dreg:$0x2];
	s6 =	sand.u32 $0x1, s1  }
0x4: {  	s2 =	simm.s32 $0x0;
	s4 =	sshll.u32 s0, $0x6;
	s7 =	sshll.u32 s6, $0x5  }
0x5: {  	[smem:$0x7FF] =	sst s2;
	s9 =	sor.u32 s7, s4  }
0x6: {  	s1 =	rddreg [dreg:$0x3];
	_ =	strace $0x80000047;
	s4 =	sshrl.u32 s9, $0x3  }
0x7: {  	s10 =	ssub.s32 $0x2, s6;
	s4 =	sadd.s32 s3, s4;
	s3 =	simm.s32 $0x2  }
0x8: {  	[tilespmem:s2], [sflag:$0x2] =	stream.linear.gather [hbm4b:s4+s2], $0x20, $0x38;
	[tilespmem:$0x420] =	vst v63  }
0x9: {  	s5 =	sadd.s32 $0x600, s5;
	s11 =	sshrl.u32 s10, $0x1;
	_ =	swait.ge [sflag:s3], $0x20  }
0xa: {  	s6 =	simm.s32 $0x20;
	s10 =	ssub.s32 s10, s11;
	[sflag:s3] =	ssyncset.done $0x0  }
0xb: {  	s7 =	simm.s32 $0x1;
	s31 =	smax.u32 s10, $0x1;
	[sflag:s3] =	ssyncadd.s32 $0xFFFFFFE0  }
0xc: {  	[tilespmem:s6], [sflag:$0x1] =	stream.indirect.gather [hbm4b:s5+s6], $0x20, s2, s6, $0xb8;
	[tilespmem:$0x420] =	vst v63  }
0xd: {  	p0 =	sne.s32 s31, $0x1;
	_ =	swait.ge [sflag:s7], $0x400  }
.Ltmp0:
0xe: {  	s9 =	sshll.u32 s9, $0x2;
	[sflag:s7] =	ssyncset.done $0x0;
	(pc) =	sbr.rel @!p0 .LBB2_2-.Ltmp0, $4  }
0xf: {  	s8 =	sadd.s32 s8, s9;
	[sflag:s7] =	ssyncadd.s32 $0xFFFFFC00  }
0x10: {  	[hbm4b:s8+s2] =	stream.linear.scatter [tilespmem:s6], [sflag:$0x2], $0x400, $0x38;
	[tilespmem:$0x420] =	vst v63  }
0x11: {  	_ =	swait.ge [sflag:s3], $0x400  }
0x12: {  	s9 =	sadd.s32 $0xFFFFFFFF, s31;
	[sflag:s3] =	ssyncset.done $0x0  }
.LBB2_1:
0x13: {  	p0 =	sne.s32 s9, $0x1;
	s9 =	sadd.s32 $0xFFFFFFFF, s9;
	[sflag:s3] =	ssyncadd.s32 $0xFFFFFC00  }
0x14: {  	[tilespmem:s2], [sflag:$0x2] =	stream.linear.gather [hbm4b:s4+s2], $0x20, $0x38;
	[tilespmem:$0x420] =	vst v63  }
0x15: {  	_ =	swait.ge [sflag:s3], $0x20  }
0x16: {  	[sflag:s3] =	ssyncset.done $0x0  }
0x17: {  	[sflag:s3] =	ssyncadd.s32 $0xFFFFFFE0  }
0x18: {  	[tilespmem:s6], [sflag:$0x1] =	stream.indirect.gather [hbm4b:s5+s6], $0x20, s2, s6, $0xb8;
	[tilespmem:$0x420] =	vst v63  }
0x19: {  	_ =	swait.ge [sflag:s7], $0x400  }
.Ltmp1:
0x1a: {  	[sflag:s7] =	ssyncset.done $0x0;
	(pc) =	sbr.rel @p0 .LBB2_1-.Ltmp1, $4  }
0x1b: {  	[sflag:s7] =	ssyncadd.s32 $0xFFFFFC00  }
0x1c: {  	[hbm4b:s8+s2] =	stream.linear.scatter [tilespmem:s6], [sflag:$0x2], $0x400, $0x38;
	[tilespmem:$0x420] =	vst v63  }
0x1d: {  	_ =	swait.ge [sflag:s3], $0x400  }
0x1e: {  	[sflag:s3] =	ssyncset.done $0x0  }
.LBB2_2:
0x1f: {  	[sflag:s3] =	ssyncadd.s32 $0xFFFFFC00  }
0x20: {  	_ =	sfence.sel $0x180000  }
0x21: {  	[bflag:$0x0] =	sbarrier.arrive $0xFFFF  }
0x22: {  	p0 =	sne.s32 s0, $0x0;
	_ =	strace $0x90000047  }
0x23: {  	s0 =	sadd.s32 @!p0 $0x100000, s1;
	[bflag:$0x2] =	sbarrier.arrive $0xFFFF  }
0x24: {  	[sflag:s0] =	ssyncadd.tile.s32 @!p0 $0x1;
	_ =	shalt  }
.Lfunc_end2:
_tile_overlayer_lowered:
.L_overlay_start_2:
0x25: {  	(tag) =	ssettag $0x2  }
0x26: {  	s0 =	rddreg [dreg:$0x0];
	s2 =	stileid.u32  }
0x27: {  	s1 =	rddreg [dreg:$0x1];
	p0 =	sne.s32 s2, $0x0  }
0x28: {  	s3 =	rddreg [dreg:$0x2];
	[bflag:$0x3] =	sbarrier.arrive $0xFFFF;
	s2 =	simm.s32 @!p0 $0x1C02  }
0x29: {  	[timem:s3], [sflag:s2] =	dma.local @!p0 [hbm:s0], s1  }
0x2a: {  	s0 =	simm.s32 @!p0 $0x2  }
0x2b: {  	_ =	swait.ge @!p0 [sflag:s0], s1  }
0x2c: {  	s1 =	ssub.s32 @!p0 $0x0, s1;
	[sflag:s0] =	ssyncset.done @!p0 $0x0  }
0x2d: {  	[sflag:s0] =	ssyncadd.s32 @!p0 s1  }
0x2e: {  	[bflag:$0x3] =	sbarrier.arrive $0xFFFF  }
0x2f: {  	_ =	shalt  }

</sc_bundles>
